<compile_context>
chip_gen: v7x
topology: tpu7x:2x2x1
jax: 0.10.2.dev20260603
libtpu: 0.0.44.dev20260713+nightly
codegen_flags: <defaults>
</compile_context>

<pallas_src>
import functools
import math

import jax
import jax.numpy as jnp
from jax import lax
from jax.experimental import pallas as pl
from jax.experimental.pallas import tpu as pltpu
from jax.experimental.pallas import tpu_sc as plsc

_VOCAB = 100000
_D = 64
_PAD = 1
_B = 4096
_S = 200
_SPAD = 208
_NC = 2
_NS = 16
_NW = _NC * _NS
_ROWS_PER_W = _B // _NW
_SCALE = math.sqrt(_D)


def _rsqrt16(a):
    i = lax.bitcast_convert_type(a, jnp.int32)
    y = lax.bitcast_convert_type(jnp.int32(0x5F3759DF) - (i >> 1), jnp.float32)
    half = 0.5 * a
    for _ in range(3):
        y = y * (1.5 - half * y * y)
    return y


def _shuffle(v, idx):
    return v.at[idx].get(mode="promise_in_bounds")


def _lane_sum(v, lane):
    for d in (8, 4, 2, 1):
        v = v + _shuffle(v, lane ^ d)
    return v


def _sc_body(src_hbm, tok_hbm, pos_hbm, g_hbm, b_hbm, out_hbm,
             srcb, posidx, tokrows, posrows, outb, g_v, b_v, sem_t, sem_p):
    wid = lax.axis_index("s") * _NC + lax.axis_index("c")
    base = wid * _ROWS_PER_W

    pltpu.sync_copy(g_hbm, g_v)
    pltpu.sync_copy(b_hbm, b_v)
    gs = [g_v[pl.ds(16 * k, 16)] for k in range(4)]
    bs = [b_v[pl.ds(16 * k, 16)] for k in range(4)]
    lane = lax.iota(jnp.int32, 16)
    lane15 = lane | 15

    def row_body(j, carry_unused):
        row = base + j
        pltpu.sync_copy(src_hbm.at[pl.ds(row * _S, _S)], srcb.at[pl.ds(0, _S)])

        carry = jnp.zeros((16,), jnp.int32)
        for i in range(_SPAD // 16):
            v = srcb[pl.ds(16 * i, 16)]
            m = v != _PAD
            if i == (_SPAD // 16) - 1:
                tail_ok = lane < (_S - 16 * i)
                m = m & tail_ok
                srcb[pl.ds(16 * i, 16)] = jnp.where(tail_ok, v, 0)
            mi = jnp.where(m, jnp.int32(1), jnp.int32(0))
            c = jnp.cumsum(mi) + carry
            posidx[pl.ds(16 * i, 16)] = jnp.where(m, c + _PAD, _PAD)
            carry = _shuffle(c, lane15)

        cp_t = pltpu.async_copy(tok_hbm.at[srcb], tokrows, sem_t)
        cp_p = pltpu.async_copy(pos_hbm.at[posidx], posrows, sem_p)
        cp_t.wait()
        cp_p.wait()

        def ln_body(t, carry2):
            x = [_SCALE * tokrows[t, pl.ds(16 * k, 16)]
                 + posrows[t, pl.ds(16 * k, 16)] for k in range(4)]
            mu = _lane_sum(x[0] + x[1] + x[2] + x[3], lane) * (1.0 / _D)
            c = [xk - mu for xk in x]
            var = _lane_sum(c[0] * c[0] + c[1] * c[1]
                            + c[2] * c[2] + c[3] * c[3], lane) * (1.0 / _D)
            r = _rsqrt16(var + 1e-5)
            for k in range(4):
                outb[t, pl.ds(16 * k, 16)] = c[k] * r * gs[k] + bs[k]
            return carry2

        lax.fori_loop(0, _S, ln_body, 0)
        pltpu.sync_copy(outb.at[pl.ds(0, _S)], out_hbm.at[pl.ds(row * _S, _S)])
        return carry_unused

    lax.fori_loop(0, _ROWS_PER_W, row_body, 0)


def kernel(src_tokens, embed_tokens, pos_emb, ln_gamma, ln_beta):
    mesh = plsc.VectorSubcoreMesh(core_axis_name="c", subcore_axis_name="s")
    f = functools.partial(
        pl.kernel,
        mesh=mesh,
        compiler_params=pltpu.CompilerParams(use_tc_tiling_on_sc=False,
                                             needs_layout_passes=False),
        out_type=jax.ShapeDtypeStruct((_B * _S, _D), jnp.float32),
        scratch_types=[
            pltpu.VMEM((_SPAD,), jnp.int32),
            pltpu.VMEM((_SPAD,), jnp.int32),
            pltpu.VMEM((_SPAD, _D), jnp.float32),
            pltpu.VMEM((_SPAD, _D), jnp.float32),
            pltpu.VMEM((_SPAD, _D), jnp.float32),
            pltpu.VMEM((_D,), jnp.float32),
            pltpu.VMEM((_D,), jnp.float32),
            pltpu.SemaphoreType.DMA,
            pltpu.SemaphoreType.DMA,
        ],
    )(_sc_body)
    out = f(src_tokens.reshape(_B * _S), embed_tokens, pos_emb,
            ln_gamma, ln_beta)
    return out.reshape(_B, _S, _D)

# --- scband reference (transcript-rebuilt; emitter-appended) ---
"""Pipeline reference for scband-text-local-encoder-360777253147 (READ-ONLY COPY).

The authoritative reference and input builder live on the scoring server;
editing this copy changes nothing except your own understanding.
"""

import math
import jax, jax.numpy as jnp
import numpy as np

VOCAB = 100000
EMBED_DIM = 64
MAX_POS = 1024
PAD_IDX = 1
BATCH = 4096
SEQ = 200


def setup_inputs(seed: int = 0) -> dict:
    key = jax.random.key(seed)
    k1, k2, k3 = jax.random.split(key, 3)
    src_tokens = jax.random.randint(k1, (BATCH, SEQ), 0, VOCAB, dtype=jnp.int64 if jax.config.read('jax_enable_x64') else jnp.int32).astype(jnp.int32)
    embed_tokens = jax.random.normal(k2, (VOCAB, EMBED_DIM), dtype=jnp.float32) * 0.02
    # fairseq learned positional embedding table: max_positions + pad_idx + 1 rows
    pos_emb = jax.random.normal(k3, (MAX_POS + PAD_IDX + 1, EMBED_DIM), dtype=jnp.float32) * 0.02
    # padding_idx rows are zero-initialized in nn.Embedding
    embed_tokens = embed_tokens.at[PAD_IDX].set(0.0)
    pos_emb = pos_emb.at[PAD_IDX].set(0.0)
    ln_gamma = jnp.ones((EMBED_DIM,), dtype=jnp.float32)
    ln_beta = jnp.zeros((EMBED_DIM,), dtype=jnp.float32)
    return {"src_tokens": src_tokens, "embed_tokens": embed_tokens, "pos_emb": pos_emb, "ln_gamma": ln_gamma, "ln_beta": ln_beta}


def _make_positions(tokens, pad_idx):
    mask = (tokens != pad_idx).astype(jnp.int32)
    return jnp.cumsum(mask, axis=1) * mask + pad_idx


def reference(src_tokens, embed_tokens, pos_emb, ln_gamma, ln_beta):
    embed_scale = math.sqrt(EMBED_DIM)  # no_scale_embedding=False
    # token embedding gather
    x = embed_scale * jnp.take(embed_tokens, src_tokens, axis=0)
    # learned positional embedding (fairseq make_positions)
    positions = _make_positions(src_tokens, PAD_IDX)
    x = x + jnp.take(pos_emb, positions, axis=0)
    # layernorm_embedding=True
    mean = jnp.mean(x, axis=-1, keepdims=True)
    var = jnp.mean(jnp.square(x - mean), axis=-1, keepdims=True)
    x = (x - mean) / jnp.sqrt(var + 1e-5)
    x = x * ln_gamma + ln_beta
    # dropout is identity in eval mode
    return x

if __name__ == "__main__":
    import jax
    _d = setup_inputs()
    print(jax.jit(kernel)(*tuple(_d.values())))

</pallas_src>

<mosaic_0001>
#map = affine_map<(d0, d1) -> (0)>
#map1 = affine_map<(d0, d1) -> (0, 0)>
module attributes {stable_mosaic.version = 14 : i64} {
  func.func @_sc_body(%arg0: i32, %arg1: i32, %arg2: memref<819200xi32, #tpu.memory_space<hbm>>, %arg3: memref<100000x64xf32, #tpu.memory_space<hbm>>, %arg4: memref<1026x64xf32, #tpu.memory_space<hbm>>, %arg5: memref<64xf32, #tpu.memory_space<hbm>>, %arg6: memref<64xf32, #tpu.memory_space<hbm>>, %arg7: memref<819200x64xf32, #tpu.memory_space<hbm>>, %arg8: memref<208xi32, #tpu.memory_space<vmem>>, %arg9: memref<208xi32, #tpu.memory_space<vmem>>, %arg10: memref<208x64xf32, #tpu.memory_space<vmem>>, %arg11: memref<208x64xf32, #tpu.memory_space<vmem>>, %arg12: memref<208x64xf32, #tpu.memory_space<vmem>>, %arg13: memref<64xf32, #tpu.memory_space<vmem>>, %arg14: memref<64xf32, #tpu.memory_space<vmem>>, %arg15: memref<!tpu.dma_semaphore, #tpu.memory_space<semaphore_mem>>, %arg16: memref<!tpu.dma_semaphore, #tpu.memory_space<semaphore_mem>>) attributes {dimension_semantics = [#tpu.dimension_semantics<core_parallel>, #tpu.dimension_semantics<subcore_parallel>], iteration_bounds = array<i64: 2, 16>, scalar_prefetch = 0 : i64, scratch_operands = 9 : i64, tpu.core_type = #tpu.core_type<sc_vector_subcore>, window_params = [{transform_indices = #map}, {transform_indices = #map1}, {transform_indices = #map1}, {transform_indices = #map}, {transform_indices = #map}, {transform_indices = #map1}]} {
    %mul3A = arith.constant 2 : i32
    %mul3A_0 = arith.muli %arg1, %mul3A : i32
    %add3A = arith.addi %mul3A_0, %arg0 : i32
    %mul3A_1 = arith.constant 128 : i32
    %mul3A_2 = arith.muli %add3A, %mul3A_1 : i32
    "tpu.region"() ({
      %run_scoped3A = tpu.sem_alloc : memref<!tpu.dma_semaphore, #tpu.memory_space<semaphore_mem>>
      tpu.enqueue_dma source(%arg5 : memref<64xf32, #tpu.memory_space<hbm>>) target(%arg13 : memref<64xf32, #tpu.memory_space<vmem>>) target_semaphore(%run_scoped3A : memref<!tpu.dma_semaphore, #tpu.memory_space<semaphore_mem>>)
      tpu.wait_dma2 semaphore(%run_scoped3A : memref<!tpu.dma_semaphore, #tpu.memory_space<semaphore_mem>>) src(%arg5 : memref<64xf32, #tpu.memory_space<hbm>>) dst(%arg13 : memref<64xf32, #tpu.memory_space<vmem>>)
      tpu.yield
    }) : () -> ()
    "tpu.region"() ({
      %run_scoped3A = tpu.sem_alloc : memref<!tpu.dma_semaphore, #tpu.memory_space<semaphore_mem>>
      tpu.enqueue_dma source(%arg6 : memref<64xf32, #tpu.memory_space<hbm>>) target(%arg14 : memref<64xf32, #tpu.memory_space<vmem>>) target_semaphore(%run_scoped3A : memref<!tpu.dma_semaphore, #tpu.memory_space<semaphore_mem>>)
      tpu.wait_dma2 semaphore(%run_scoped3A : memref<!tpu.dma_semaphore, #tpu.memory_space<semaphore_mem>>) src(%arg6 : memref<64xf32, #tpu.memory_space<hbm>>) dst(%arg14 : memref<64xf32, #tpu.memory_space<vmem>>)
      tpu.yield
    }) : () -> ()
    %get3A = arith.constant 0 : index
    %get3A_3 = tpu.vector_load %arg13[%get3A] {strides = array<i32>} : memref<64xf32, #tpu.memory_space<vmem>>, vector<16xf32>,
    %get3A_4 = arith.constant 16 : index
    %get3A_5 = tpu.vector_load %arg13[%get3A_4] {strides = array<i32>} : memref<64xf32, #tpu.memory_space<vmem>>, vector<16xf32>,
    %get3A_6 = arith.constant 32 : index
    %get3A_7 = tpu.vector_load %arg13[%get3A_6] {strides = array<i32>} : memref<64xf32, #tpu.memory_space<vmem>>, vector<16xf32>,
    %get3A_8 = arith.constant 48 : index
    %get3A_9 = tpu.vector_load %arg13[%get3A_8] {strides = array<i32>} : memref<64xf32, #tpu.memory_space<vmem>>, vector<16xf32>,
    %get3A_10 = arith.constant 0 : index
    %get3A_11 = tpu.vector_load %arg14[%get3A_10] {strides = array<i32>} : memref<64xf32, #tpu.memory_space<vmem>>, vector<16xf32>,
    %get3A_12 = arith.constant 16 : index
    %get3A_13 = tpu.vector_load %arg14[%get3A_12] {strides = array<i32>} : memref<64xf32, #tpu.memory_space<vmem>>, vector<16xf32>,
    %get3A_14 = arith.constant 32 : index
    %get3A_15 = tpu.vector_load %arg14[%get3A_14] {strides = array<i32>} : memref<64xf32, #tpu.memory_space<vmem>>, vector<16xf32>,
    %get3A_16 = arith.constant 48 : index
    %get3A_17 = tpu.vector_load %arg14[%get3A_16] {strides = array<i32>} : memref<64xf32, #tpu.memory_space<vmem>>, vector<16xf32>,
    %iota3A = tpu.iota {dimensions = array<i32: 0>} : vector<16xi32>
    %or3A = arith.constant 15 : i32
    %or3A_18 = vector.broadcast %or3A : i32 to vector<16xi32>
    %or3A_19 = arith.ori %iota3A, %or3A_18 : vector<16xi32>
    %scan3A = arith.constant 0 : i32
    %scan3A_20 = arith.constant 0 : i32
    %scan3A_21 = arith.constant 128 : i32
    %scan3A_22 = arith.addi %scan3A_20, %scan3A_21 : i32
    %scan3A_23 = arith.constant 1 : i32
    scf.for %scan3A_25 = %scan3A_20 to %scan3A_22 step %scan3A_23  : i32 {
      %add3A_26 = arith.addi %mul3A_2, %scan3A_25 : i32
      %mul3A_27 = arith.constant 200 : i32
      %mul3A_28 = arith.muli %add3A_26, %mul3A_27 : i32
      "tpu.region"() ({
        %run_scoped3A = tpu.sem_alloc : memref<!tpu.dma_semaphore, #tpu.memory_space<semaphore_mem>>
        %dma_start3A_465 = arith.constant 0 : i32
        %dma_start3A_466 = tpu.memref_slice %arg8[%dma_start3A_465] : memref<208xi32, #tpu.memory_space<vmem>> -> memref<200xi32, #tpu.memory_space<vmem>>
        %dma_start3A_467 = tpu.memref_slice %arg2[%mul3A_28] : memref<819200xi32, #tpu.memory_space<hbm>> -> memref<200xi32, #tpu.memory_space<hbm>>
        %dma_start3A_468 = arith.constant 0 : i32
        %dma_start3A_469 = tpu.memref_slice %arg8[%dma_start3A_468] : memref<208xi32, #tpu.memory_space<vmem>> -> memref<200xi32, #tpu.memory_space<vmem>>
        %dma_start3A_470 = tpu.memref_slice %arg2[%mul3A_28] : memref<819200xi32, #tpu.memory_space<hbm>> -> memref<200xi32, #tpu.memory_space<hbm>>
        tpu.enqueue_dma source(%dma_start3A_470 : memref<200xi32, #tpu.memory_space<hbm>>) target(%dma_start3A_469 : memref<200xi32, #tpu.memory_space<vmem>>) target_semaphore(%run_scoped3A : memref<!tpu.dma_semaphore, #tpu.memory_space<semaphore_mem>>)
        %dma_wait3A_471 = arith.constant 0 : i32
        %dma_wait3A_472 = tpu.memref_slice %arg8[%dma_wait3A_471] : memref<208xi32, #tpu.memory_space<vmem>> -> memref<200xi32, #tpu.memory_space<vmem>>
        %dma_wait3A_473 = tpu.memref_slice %arg2[%mul3A_28] : memref<819200xi32, #tpu.memory_space<hbm>> -> memref<200xi32, #tpu.memory_space<hbm>>
        %dma_wait3A_474 = arith.constant 0 : i32
        %dma_wait3A_475 = tpu.memref_slice %arg8[%dma_wait3A_474] : memref<208xi32, #tpu.memory_space<vmem>> -> memref<200xi32, #tpu.memory_space<vmem>>
        %dma_wait3A_476 = tpu.memref_slice %arg2[%mul3A_28] : memref<819200xi32, #tpu.memory_space<hbm>> -> memref<200xi32, #tpu.memory_space<hbm>>
        tpu.wait_dma2 semaphore(%run_scoped3A : memref<!tpu.dma_semaphore, #tpu.memory_space<semaphore_mem>>) src(%dma_wait3A_476 : memref<200xi32, #tpu.memory_space<hbm>>) dst(%dma_wait3A_475 : memref<200xi32, #tpu.memory_space<vmem>>)
        tpu.yield
      }) : () -> ()
      %broadcast_in_dim3A = arith.constant 0 : i32
      %broadcast_in_dim3A_29 = vector.broadcast %broadcast_in_dim3A : i32 to vector<16xi32>
      %get3A_30 = arith.constant 0 : index
      %get3A_31 = tpu.vector_load %arg8[%get3A_30] {strides = array<i32>} : memref<208xi32, #tpu.memory_space<vmem>>, vector<16xi32>,
      %ne3A = arith.constant 1 : i32
      %ne3A_32 = vector.broadcast %ne3A : i32 to vector<16xi32>
      %ne3A_33 = arith.cmpi ne, %get3A_31, %ne3A_32 : vector<16xi32>
      %jit3A = arith.constant 1 : i32
      %jit3A_34 = arith.constant 0 : i32
      %broadcast_in_dim3A_35 = vector.broadcast %jit3A : i32 to vector<16xi32>
      %broadcast_in_dim3A_36 = vector.broadcast %jit3A_34 : i32 to vector<16xi32>
      %select_n3A = arith.select %ne3A_33, %broadcast_in_dim3A_35, %broadcast_in_dim3A_36 : vector<16xi1>, vector<16xi32>
      %cumsum3A = arith.constant true
      %cumsum3A_37 = vector.broadcast %cumsum3A : i1 to vector<16xi1>
      %cumsum3A_38 = tpu.scan <sum>, %select_n3A masked %cumsum3A_37 : vector<16xi32>, vector<16xi1> -> vector<16xi32>
      %add3A_39 = arith.addi %cumsum3A_38, %broadcast_in_dim3A_29 : vector<16xi32>
      %add3A_40 = arith.constant 1 : i32
      %add3A_41 = vector.broadcast %add3A_40 : i32 to vector<16xi32>
      %add3A_42 = arith.addi %add3A_39, %add3A_41 : vector<16xi32>
      %jit3A_43 = arith.constant 1 : i32
      %broadcast_in_dim3A_44 = vector.broadcast %jit3A_43 : i32 to vector<16xi32>
      %select_n3A_45 = arith.select %ne3A_33, %add3A_42, %broadcast_in_dim3A_44 : vector<16xi1>, vector<16xi32>
      %swap3A = arith.constant 0 : index
      %swap3A_46 = tpu.vector_load %arg9[%swap3A] {strides = array<i32>} : memref<208xi32, #tpu.memory_space<vmem>>, vector<16xi32>,
      tpu.vector_store %arg9[%swap3A], %select_n3A_45 {strides = array<i32>} : memref<208xi32, #tpu.memory_space<vmem>>, vector<16xi32>,
      %lt3A = arith.constant 0 : i32
      %lt3A_47 = vector.broadcast %lt3A : i32 to vector<16xi32>
      %lt3A_48 = arith.cmpi slt, %or3A_19, %lt3A_47 : vector<16xi32>
      %add3A_49 = arith.constant 16 : i32
      %add3A_50 = vector.broadcast %add3A_49 : i32 to vector<16xi32>
      %add3A_51 = arith.addi %or3A_19, %add3A_50 : vector<16xi32>
      %select_n3A_52 = arith.select %lt3A_48, %add3A_51, %or3A_19 : vector<16xi1>, vector<16xi32>
      %broadcast_in_dim3A_53 = vector.shape_cast %select_n3A_52 : vector<16xi32> to vector<16x1xi32>
      %gather3A = vector.shape_cast %broadcast_in_dim3A_53 : vector<16x1xi32> to vector<16xi32>
      %gather3A_54 = tpu.dynamic_gather %add3A_39[%gather3A] in [0] : vector<16xi32>, vector<16xi32> -> vector<16xi32>
      %get3A_55 = arith.constant 16 : index
      %get3A_56 = tpu.vector_load %arg8[%get3A_55] {strides = array<i32>} : memref<208xi32, #tpu.memory_space<vmem>>, vector<16xi32>,
      %ne3A_57 = arith.constant 1 : i32
      %ne3A_58 = vector.broadcast %ne3A_57 : i32 to vector<16xi32>
      %ne3A_59 = arith.cmpi ne, %get3A_56, %ne3A_58 : vector<16xi32>
      %jit3A_60 = arith.constant 1 : i32
      %jit3A_61 = arith.constant 0 : i32
      %broadcast_in_dim3A_62 = vector.broadcast %jit3A_60 : i32 to vector<16xi32>
      %broadcast_in_dim3A_63 = vector.broadcast %jit3A_61 : i32 to vector<16xi32>
      %select_n3A_64 = arith.select %ne3A_59, %broadcast_in_dim3A_62, %broadcast_in_dim3A_63 : vector<16xi1>, vector<16xi32>
      %cumsum3A_65 = arith.constant true
      %cumsum3A_66 = vector.broadcast %cumsum3A_65 : i1 to vector<16xi1>
      %cumsum3A_67 = tpu.scan <sum>, %select_n3A_64 masked %cumsum3A_66 : vector<16xi32>, vector<16xi1> -> vector<16xi32>
      %add3A_68 = arith.addi %cumsum3A_67, %gather3A_54 : vector<16xi32>
      %add3A_69 = arith.constant 1 : i32
      %add3A_70 = vector.broadcast %add3A_69 : i32 to vector<16xi32>
      %add3A_71 = arith.addi %add3A_68, %add3A_70 : vector<16xi32>
      %jit3A_72 = arith.constant 1 : i32
      %broadcast_in_dim3A_73 = vector.broadcast %jit3A_72 : i32 to vector<16xi32>
      %select_n3A_74 = arith.select %ne3A_59, %add3A_71, %broadcast_in_dim3A_73 : vector<16xi1>, vector<16xi32>
      %swap3A_75 = arith.constant 16 : index
      %swap3A_76 = tpu.vector_load %arg9[%swap3A_75] {strides = array<i32>} : memref<208xi32, #tpu.memory_space<vmem>>, vector<16xi32>,
      tpu.vector_store %arg9[%swap3A_75], %select_n3A_74 {strides = array<i32>} : memref<208xi32, #tpu.memory_space<vmem>>, vector<16xi32>,
      %lt3A_77 = arith.constant 0 : i32
      %lt3A_78 = vector.broadcast %lt3A_77 : i32 to vector<16xi32>
      %lt3A_79 = arith.cmpi slt, %or3A_19, %lt3A_78 : vector<16xi32>
      %add3A_80 = arith.constant 16 : i32
      %add3A_81 = vector.broadcast %add3A_80 : i32 to vector<16xi32>
      %add3A_82 = arith.addi %or3A_19, %add3A_81 : vector<16xi32>
      %select_n3A_83 = arith.select %lt3A_79, %add3A_82, %or3A_19 : vector<16xi1>, vector<16xi32>
      %broadcast_in_dim3A_84 = vector.shape_cast %select_n3A_83 : vector<16xi32> to vector<16x1xi32>
      %gather3A_85 = vector.shape_cast %broadcast_in_dim3A_84 : vector<16x1xi32> to vector<16xi32>
      %gather3A_86 = tpu.dynamic_gather %add3A_68[%gather3A_85] in [0] : vector<16xi32>, vector<16xi32> -> vector<16xi32>
      %get3A_87 = arith.constant 32 : index
      %get3A_88 = tpu.vector_load %arg8[%get3A_87] {strides = array<i32>} : memref<208xi32, #tpu.memory_space<vmem>>, vector<16xi32>,
      %ne3A_89 = arith.constant 1 : i32
      %ne3A_90 = vector.broadcast %ne3A_89 : i32 to vector<16xi32>
      %ne3A_91 = arith.cmpi ne, %get3A_88, %ne3A_90 : vector<16xi32>
      %jit3A_92 = arith.constant 1 : i32
      %jit3A_93 = arith.constant 0 : i32
      %broadcast_in_dim3A_94 = vector.broadcast %jit3A_92 : i32 to vector<16xi32>
      %broadcast_in_dim3A_95 = vector.broadcast %jit3A_93 : i32 to vector<16xi32>
      %select_n3A_96 = arith.select %ne3A_91, %broadcast_in_dim3A_94, %broadcast_in_dim3A_95 : vector<16xi1>, vector<16xi32>
      %cumsum3A_97 = arith.constant true
      %cumsum3A_98 = vector.broadcast %cumsum3A_97 : i1 to vector<16xi1>
      %cumsum3A_99 = tpu.scan <sum>, %select_n3A_96 masked %cumsum3A_98 : vector<16xi32>, vector<16xi1> -> vector<16xi32>
      %add3A_100 = arith.addi %cumsum3A_99, %gather3A_86 : vector<16xi32>
      %add3A_101 = arith.constant 1 : i32
      %add3A_102 = vector.broadcast %add3A_101 : i32 to vector<16xi32>
      %add3A_103 = arith.addi %add3A_100, %add3A_102 : vector<16xi32>
      %jit3A_104 = arith.constant 1 : i32
      %broadcast_in_dim3A_105 = vector.broadcast %jit3A_104 : i32 to vector<16xi32>
      %select_n3A_106 = arith.select %ne3A_91, %add3A_103, %broadcast_in_dim3A_105 : vector<16xi1>, vector<16xi32>
      %swap3A_107 = arith.constant 32 : index
      %swap3A_108 = tpu.vector_load %arg9[%swap3A_107] {strides = array<i32>} : memref<208xi32, #tpu.memory_space<vmem>>, vector<16xi32>,
      tpu.vector_store %arg9[%swap3A_107], %select_n3A_106 {strides = array<i32>} : memref<208xi32, #tpu.memory_space<vmem>>, vector<16xi32>,
      %lt3A_109 = arith.constant 0 : i32
      %lt3A_110 = vector.broadcast %lt3A_109 : i32 to vector<16xi32>
      %lt3A_111 = arith.cmpi slt, %or3A_19, %lt3A_110 : vector<16xi32>
      %add3A_112 = arith.constant 16 : i32
      %add3A_113 = vector.broadcast %add3A_112 : i32 to vector<16xi32>
      %add3A_114 = arith.addi %or3A_19, %add3A_113 : vector<16xi32>
      %select_n3A_115 = arith.select %lt3A_111, %add3A_114, %or3A_19 : vector<16xi1>, vector<16xi32>
      %broadcast_in_dim3A_116 = vector.shape_cast %select_n3A_115 : vector<16xi32> to vector<16x1xi32>
      %gather3A_117 = vector.shape_cast %broadcast_in_dim3A_116 : vector<16x1xi32> to vector<16xi32>
      %gather3A_118 = tpu.dynamic_gather %add3A_100[%gather3A_117] in [0] : vector<16xi32>, vector<16xi32> -> vector<16xi32>
      %get3A_119 = arith.constant 48 : index
      %get3A_120 = tpu.vector_load %arg8[%get3A_119] {strides = array<i32>} : memref<208xi32, #tpu.memory_space<vmem>>, vector<16xi32>,
      %ne3A_121 = arith.constant 1 : i32
      %ne3A_122 = vector.broadcast %ne3A_121 : i32 to vector<16xi32>
      %ne3A_123 = arith.cmpi ne, %get3A_120, %ne3A_122 : vector<16xi32>
      %jit3A_124 = arith.constant 1 : i32
      %jit3A_125 = arith.constant 0 : i32
      %broadcast_in_dim3A_126 = vector.broadcast %jit3A_124 : i32 to vector<16xi32>
      %broadcast_in_dim3A_127 = vector.broadcast %jit3A_125 : i32 to vector<16xi32>
      %select_n3A_128 = arith.select %ne3A_123, %broadcast_in_dim3A_126, %broadcast_in_dim3A_127 : vector<16xi1>, vector<16xi32>
      %cumsum3A_129 = arith.constant true
      %cumsum3A_130 = vector.broadcast %cumsum3A_129 : i1 to vector<16xi1>
      %cumsum3A_131 = tpu.scan <sum>, %select_n3A_128 masked %cumsum3A_130 : vector<16xi32>, vector<16xi1> -> vector<16xi32>
      %add3A_132 = arith.addi %cumsum3A_131, %gather3A_118 : vector<16xi32>
      %add3A_133 = arith.constant 1 : i32
      %add3A_134 = vector.broadcast %add3A_133 : i32 to vector<16xi32>
      %add3A_135 = arith.addi %add3A_132, %add3A_134 : vector<16xi32>
      %jit3A_136 = arith.constant 1 : i32
      %broadcast_in_dim3A_137 = vector.broadcast %jit3A_136 : i32 to vector<16xi32>
      %select_n3A_138 = arith.select %ne3A_123, %add3A_135, %broadcast_in_dim3A_137 : vector<16xi1>, vector<16xi32>
      %swap3A_139 = arith.constant 48 : index
      %swap3A_140 = tpu.vector_load %arg9[%swap3A_139] {strides = array<i32>} : memref<208xi32, #tpu.memory_space<vmem>>, vector<16xi32>,
      tpu.vector_store %arg9[%swap3A_139], %select_n3A_138 {strides = array<i32>} : memref<208xi32, #tpu.memory_space<vmem>>, vector<16xi32>,
      %lt3A_141 = arith.constant 0 : i32
      %lt3A_142 = vector.broadcast %lt3A_141 : i32 to vector<16xi32>
      %lt3A_143 = arith.cmpi slt, %or3A_19, %lt3A_142 : vector<16xi32>
      %add3A_144 = arith.constant 16 : i32
      %add3A_145 = vector.broadcast %add3A_144 : i32 to vector<16xi32>
      %add3A_146 = arith.addi %or3A_19, %add3A_145 : vector<16xi32>
      %select_n3A_147 = arith.select %lt3A_143, %add3A_146, %or3A_19 : vector<16xi1>, vector<16xi32>
      %broadcast_in_dim3A_148 = vector.shape_cast %select_n3A_147 : vector<16xi32> to vector<16x1xi32>
      %gather3A_149 = vector.shape_cast %broadcast_in_dim3A_148 : vector<16x1xi32> to vector<16xi32>
      %gather3A_150 = tpu.dynamic_gather %add3A_132[%gather3A_149] in [0] : vector<16xi32>, vector<16xi32> -> vector<16xi32>
      %get3A_151 = arith.constant 64 : index
      %get3A_152 = tpu.vector_load %arg8[%get3A_151] {strides = array<i32>} : memref<208xi32, #tpu.memory_space<vmem>>, vector<16xi32>,
      %ne3A_153 = arith.constant 1 : i32
      %ne3A_154 = vector.broadcast %ne3A_153 : i32 to vector<16xi32>
      %ne3A_155 = arith.cmpi ne, %get3A_152, %ne3A_154 : vector<16xi32>
      %jit3A_156 = arith.constant 1 : i32
      %jit3A_157 = arith.constant 0 : i32
      %broadcast_in_dim3A_158 = vector.broadcast %jit3A_156 : i32 to vector<16xi32>
      %broadcast_in_dim3A_159 = vector.broadcast %jit3A_157 : i32 to vector<16xi32>
      %select_n3A_160 = arith.select %ne3A_155, %broadcast_in_dim3A_158, %broadcast_in_dim3A_159 : vector<16xi1>, vector<16xi32>
      %cumsum3A_161 = arith.constant true
      %cumsum3A_162 = vector.broadcast %cumsum3A_161 : i1 to vector<16xi1>
      %cumsum3A_163 = tpu.scan <sum>, %select_n3A_160 masked %cumsum3A_162 : vector<16xi32>, vector<16xi1> -> vector<16xi32>
      %add3A_164 = arith.addi %cumsum3A_163, %gather3A_150 : vector<16xi32>
      %add3A_165 = arith.constant 1 : i32
      %add3A_166 = vector.broadcast %add3A_165 : i32 to vector<16xi32>
      %add3A_167 = arith.addi %add3A_164, %add3A_166 : vector<16xi32>
      %jit3A_168 = arith.constant 1 : i32
      %broadcast_in_dim3A_169 = vector.broadcast %jit3A_168 : i32 to vector<16xi32>
      %select_n3A_170 = arith.select %ne3A_155, %add3A_167, %broadcast_in_dim3A_169 : vector<16xi1>, vector<16xi32>
      %swap3A_171 = arith.constant 64 : index
      %swap3A_172 = tpu.vector_load %arg9[%swap3A_171] {strides = array<i32>} : memref<208xi32, #tpu.memory_space<vmem>>, vector<16xi32>,
      tpu.vector_store %arg9[%swap3A_171], %select_n3A_170 {strides = array<i32>} : memref<208xi32, #tpu.memory_space<vmem>>, vector<16xi32>,
      %lt3A_173 = arith.constant 0 : i32
      %lt3A_174 = vector.broadcast %lt3A_173 : i32 to vector<16xi32>
      %lt3A_175 = arith.cmpi slt, %or3A_19, %lt3A_174 : vector<16xi32>
      %add3A_176 = arith.constant 16 : i32
      %add3A_177 = vector.broadcast %add3A_176 : i32 to vector<16xi32>
      %add3A_178 = arith.addi %or3A_19, %add3A_177 : vector<16xi32>
      %select_n3A_179 = arith.select %lt3A_175, %add3A_178, %or3A_19 : vector<16xi1>, vector<16xi32>
      %broadcast_in_dim3A_180 = vector.shape_cast %select_n3A_179 : vector<16xi32> to vector<16x1xi32>
      %gather3A_181 = vector.shape_cast %broadcast_in_dim3A_180 : vector<16x1xi32> to vector<16xi32>
      %gather3A_182 = tpu.dynamic_gather %add3A_164[%gather3A_181] in [0] : vector<16xi32>, vector<16xi32> -> vector<16xi32>
      %get3A_183 = arith.constant 80 : index
      %get3A_184 = tpu.vector_load %arg8[%get3A_183] {strides = array<i32>} : memref<208xi32, #tpu.memory_space<vmem>>, vector<16xi32>,
      %ne3A_185 = arith.constant 1 : i32
      %ne3A_186 = vector.broadcast %ne3A_185 : i32 to vector<16xi32>
      %ne3A_187 = arith.cmpi ne, %get3A_184, %ne3A_186 : vector<16xi32>
      %jit3A_188 = arith.constant 1 : i32
      %jit3A_189 = arith.constant 0 : i32
      %broadcast_in_dim3A_190 = vector.broadcast %jit3A_188 : i32 to vector<16xi32>
      %broadcast_in_dim3A_191 = vector.broadcast %jit3A_189 : i32 to vector<16xi32>
      %select_n3A_192 = arith.select %ne3A_187, %broadcast_in_dim3A_190, %broadcast_in_dim3A_191 : vector<16xi1>, vector<16xi32>
      %cumsum3A_193 = arith.constant true
      %cumsum3A_194 = vector.broadcast %cumsum3A_193 : i1 to vector<16xi1>
      %cumsum3A_195 = tpu.scan <sum>, %select_n3A_192 masked %cumsum3A_194 : vector<16xi32>, vector<16xi1> -> vector<16xi32>
      %add3A_196 = arith.addi %cumsum3A_195, %gather3A_182 : vector<16xi32>
      %add3A_197 = arith.constant 1 : i32
      %add3A_198 = vector.broadcast %add3A_197 : i32 to vector<16xi32>
      %add3A_199 = arith.addi %add3A_196, %add3A_198 : vector<16xi32>
      %jit3A_200 = arith.constant 1 : i32
      %broadcast_in_dim3A_201 = vector.broadcast %jit3A_200 : i32 to vector<16xi32>
      %select_n3A_202 = arith.select %ne3A_187, %add3A_199, %broadcast_in_dim3A_201 : vector<16xi1>, vector<16xi32>
      %swap3A_203 = arith.constant 80 : index
      %swap3A_204 = tpu.vector_load %arg9[%swap3A_203] {strides = array<i32>} : memref<208xi32, #tpu.memory_space<vmem>>, vector<16xi32>,
      tpu.vector_store %arg9[%swap3A_203], %select_n3A_202 {strides = array<i32>} : memref<208xi32, #tpu.memory_space<vmem>>, vector<16xi32>,
      %lt3A_205 = arith.constant 0 : i32
      %lt3A_206 = vector.broadcast %lt3A_205 : i32 to vector<16xi32>
      %lt3A_207 = arith.cmpi slt, %or3A_19, %lt3A_206 : vector<16xi32>
      %add3A_208 = arith.constant 16 : i32
      %add3A_209 = vector.broadcast %add3A_208 : i32 to vector<16xi32>
      %add3A_210 = arith.addi %or3A_19, %add3A_209 : vector<16xi32>
      %select_n3A_211 = arith.select %lt3A_207, %add3A_210, %or3A_19 : vector<16xi1>, vector<16xi32>
      %broadcast_in_dim3A_212 = vector.shape_cast %select_n3A_211 : vector<16xi32> to vector<16x1xi32>
      %gather3A_213 = vector.shape_cast %broadcast_in_dim3A_212 : vector<16x1xi32> to vector<16xi32>
      %gather3A_214 = tpu.dynamic_gather %add3A_196[%gather3A_213] in [0] : vector<16xi32>, vector<16xi32> -> vector<16xi32>
      %get3A_215 = arith.constant 96 : index
      %get3A_216 = tpu.vector_load %arg8[%get3A_215] {strides = array<i32>} : memref<208xi32, #tpu.memory_space<vmem>>, vector<16xi32>,
      %ne3A_217 = arith.constant 1 : i32
      %ne3A_218 = vector.broadcast %ne3A_217 : i32 to vector<16xi32>
      %ne3A_219 = arith.cmpi ne, %get3A_216, %ne3A_218 : vector<16xi32>
      %jit3A_220 = arith.constant 1 : i32
      %jit3A_221 = arith.constant 0 : i32
      %broadcast_in_dim3A_222 = vector.broadcast %jit3A_220 : i32 to vector<16xi32>
      %broadcast_in_dim3A_223 = vector.broadcast %jit3A_221 : i32 to vector<16xi32>
      %select_n3A_224 = arith.select %ne3A_219, %broadcast_in_dim3A_222, %broadcast_in_dim3A_223 : vector<16xi1>, vector<16xi32>
      %cumsum3A_225 = arith.constant true
      %cumsum3A_226 = vector.broadcast %cumsum3A_225 : i1 to vector<16xi1>
      %cumsum3A_227 = tpu.scan <sum>, %select_n3A_224 masked %cumsum3A_226 : vector<16xi32>, vector<16xi1> -> vector<16xi32>
      %add3A_228 = arith.addi %cumsum3A_227, %gather3A_214 : vector<16xi32>
      %add3A_229 = arith.constant 1 : i32
      %add3A_230 = vector.broadcast %add3A_229 : i32 to vector<16xi32>
      %add3A_231 = arith.addi %add3A_228, %add3A_230 : vector<16xi32>
      %jit3A_232 = arith.constant 1 : i32
      %broadcast_in_dim3A_233 = vector.broadcast %jit3A_232 : i32 to vector<16xi32>
      %select_n3A_234 = arith.select %ne3A_219, %add3A_231, %broadcast_in_dim3A_233 : vector<16xi1>, vector<16xi32>
      %swap3A_235 = arith.constant 96 : index
      %swap3A_236 = tpu.vector_load %arg9[%swap3A_235] {strides = array<i32>} : memref<208xi32, #tpu.memory_space<vmem>>, vector<16xi32>,
      tpu.vector_store %arg9[%swap3A_235], %select_n3A_234 {strides = array<i32>} : memref<208xi32, #tpu.memory_space<vmem>>, vector<16xi32>,
      %lt3A_237 = arith.constant 0 : i32
      %lt3A_238 = vector.broadcast %lt3A_237 : i32 to vector<16xi32>
      %lt3A_239 = arith.cmpi slt, %or3A_19, %lt3A_238 : vector<16xi32>
      %add3A_240 = arith.constant 16 : i32
      %add3A_241 = vector.broadcast %add3A_240 : i32 to vector<16xi32>
      %add3A_242 = arith.addi %or3A_19, %add3A_241 : vector<16xi32>
      %select_n3A_243 = arith.select %lt3A_239, %add3A_242, %or3A_19 : vector<16xi1>, vector<16xi32>
      %broadcast_in_dim3A_244 = vector.shape_cast %select_n3A_243 : vector<16xi32> to vector<16x1xi32>
      %gather3A_245 = vector.shape_cast %broadcast_in_dim3A_244 : vector<16x1xi32> to vector<16xi32>
      %gather3A_246 = tpu.dynamic_gather %add3A_228[%gather3A_245] in [0] : vector<16xi32>, vector<16xi32> -> vector<16xi32>
      %get3A_247 = arith.constant 112 : index
      %get3A_248 = tpu.vector_load %arg8[%get3A_247] {strides = array<i32>} : memref<208xi32, #tpu.memory_space<vmem>>, vector<16xi32>,
      %ne3A_249 = arith.constant 1 : i32
      %ne3A_250 = vector.broadcast %ne3A_249 : i32 to vector<16xi32>
      %ne3A_251 = arith.cmpi ne, %get3A_248, %ne3A_250 : vector<16xi32>
      %jit3A_252 = arith.constant 1 : i32
      %jit3A_253 = arith.constant 0 : i32
      %broadcast_in_dim3A_254 = vector.broadcast %jit3A_252 : i32 to vector<16xi32>
      %broadcast_in_dim3A_255 = vector.broadcast %jit3A_253 : i32 to vector<16xi32>
      %select_n3A_256 = arith.select %ne3A_251, %broadcast_in_dim3A_254, %broadcast_in_dim3A_255 : vector<16xi1>, vector<16xi32>
      %cumsum3A_257 = arith.constant true
      %cumsum3A_258 = vector.broadcast %cumsum3A_257 : i1 to vector<16xi1>
      %cumsum3A_259 = tpu.scan <sum>, %select_n3A_256 masked %cumsum3A_258 : vector<16xi32>, vector<16xi1> -> vector<16xi32>
      %add3A_260 = arith.addi %cumsum3A_259, %gather3A_246 : vector<16xi32>
      %add3A_261 = arith.constant 1 : i32
      %add3A_262 = vector.broadcast %add3A_261 : i32 to vector<16xi32>
      %add3A_263 = arith.addi %add3A_260, %add3A_262 : vector<16xi32>
      %jit3A_264 = arith.constant 1 : i32
      %broadcast_in_dim3A_265 = vector.broadcast %jit3A_264 : i32 to vector<16xi32>
      %select_n3A_266 = arith.select %ne3A_251, %add3A_263, %broadcast_in_dim3A_265 : vector<16xi1>, vector<16xi32>
      %swap3A_267 = arith.constant 112 : index
      %swap3A_268 = tpu.vector_load %arg9[%swap3A_267] {strides = array<i32>} : memref<208xi32, #tpu.memory_space<vmem>>, vector<16xi32>,
      tpu.vector_store %arg9[%swap3A_267], %select_n3A_266 {strides = array<i32>} : memref<208xi32, #tpu.memory_space<vmem>>, vector<16xi32>,
      %lt3A_269 = arith.constant 0 : i32
      %lt3A_270 = vector.broadcast %lt3A_269 : i32 to vector<16xi32>
      %lt3A_271 = arith.cmpi slt, %or3A_19, %lt3A_270 : vector<16xi32>
      %add3A_272 = arith.constant 16 : i32
      %add3A_273 = vector.broadcast %add3A_272 : i32 to vector<16xi32>
      %add3A_274 = arith.addi %or3A_19, %add3A_273 : vector<16xi32>
      %select_n3A_275 = arith.select %lt3A_271, %add3A_274, %or3A_19 : vector<16xi1>, vector<16xi32>
      %broadcast_in_dim3A_276 = vector.shape_cast %select_n3A_275 : vector<16xi32> to vector<16x1xi32>
      %gather3A_277 = vector.shape_cast %broadcast_in_dim3A_276 : vector<16x1xi32> to vector<16xi32>
      %gather3A_278 = tpu.dynamic_gather %add3A_260[%gather3A_277] in [0] : vector<16xi32>, vector<16xi32> -> vector<16xi32>
      %get3A_279 = arith.constant 128 : index
      %get3A_280 = tpu.vector_load %arg8[%get3A_279] {strides = array<i32>} : memref<208xi32, #tpu.memory_space<vmem>>, vector<16xi32>,
      %ne3A_281 = arith.constant 1 : i32
      %ne3A_282 = vector.broadcast %ne3A_281 : i32 to vector<16xi32>
      %ne3A_283 = arith.cmpi ne, %get3A_280, %ne3A_282 : vector<16xi32>
      %jit3A_284 = arith.constant 1 : i32
      %jit3A_285 = arith.constant 0 : i32
      %broadcast_in_dim3A_286 = vector.broadcast %jit3A_284 : i32 to vector<16xi32>
      %broadcast_in_dim3A_287 = vector.broadcast %jit3A_285 : i32 to vector<16xi32>
      %select_n3A_288 = arith.select %ne3A_283, %broadcast_in_dim3A_286, %broadcast_in_dim3A_287 : vector<16xi1>, vector<16xi32>
      %cumsum3A_289 = arith.constant true
      %cumsum3A_290 = vector.broadcast %cumsum3A_289 : i1 to vector<16xi1>
      %cumsum3A_291 = tpu.scan <sum>, %select_n3A_288 masked %cumsum3A_290 : vector<16xi32>, vector<16xi1> -> vector<16xi32>
      %add3A_292 = arith.addi %cumsum3A_291, %gather3A_278 : vector<16xi32>
      %add3A_293 = arith.constant 1 : i32
      %add3A_294 = vector.broadcast %add3A_293 : i32 to vector<16xi32>
      %add3A_295 = arith.addi %add3A_292, %add3A_294 : vector<16xi32>
      %jit3A_296 = arith.constant 1 : i32
      %broadcast_in_dim3A_297 = vector.broadcast %jit3A_296 : i32 to vector<16xi32>
      %select_n3A_298 = arith.select %ne3A_283, %add3A_295, %broadcast_in_dim3A_297 : vector<16xi1>, vector<16xi32>
      %swap3A_299 = arith.constant 128 : index
      %swap3A_300 = tpu.vector_load %arg9[%swap3A_299] {strides = array<i32>} : memref<208xi32, #tpu.memory_space<vmem>>, vector<16xi32>,
      tpu.vector_store %arg9[%swap3A_299], %select_n3A_298 {strides = array<i32>} : memref<208xi32, #tpu.memory_space<vmem>>, vector<16xi32>,
      %lt3A_301 = arith.constant 0 : i32
      %lt3A_302 = vector.broadcast %lt3A_301 : i32 to vector<16xi32>
      %lt3A_303 = arith.cmpi slt, %or3A_19, %lt3A_302 : vector<16xi32>
      %add3A_304 = arith.constant 16 : i32
      %add3A_305 = vector.broadcast %add3A_304 : i32 to vector<16xi32>
      %add3A_306 = arith.addi %or3A_19, %add3A_305 : vector<16xi32>
      %select_n3A_307 = arith.select %lt3A_303, %add3A_306, %or3A_19 : vector<16xi1>, vector<16xi32>
      %broadcast_in_dim3A_308 = vector.shape_cast %select_n3A_307 : vector<16xi32> to vector<16x1xi32>
      %gather3A_309 = vector.shape_cast %broadcast_in_dim3A_308 : vector<16x1xi32> to vector<16xi32>
      %gather3A_310 = tpu.dynamic_gather %add3A_292[%gather3A_309] in [0] : vector<16xi32>, vector<16xi32> -> vector<16xi32>
      %get3A_311 = arith.constant 144 : index
      %get3A_312 = tpu.vector_load %arg8[%get3A_311] {strides = array<i32>} : memref<208xi32, #tpu.memory_space<vmem>>, vector<16xi32>,
      %ne3A_313 = arith.constant 1 : i32
      %ne3A_314 = vector.broadcast %ne3A_313 : i32 to vector<16xi32>
      %ne3A_315 = arith.cmpi ne, %get3A_312, %ne3A_314 : vector<16xi32>
      %jit3A_316 = arith.constant 1 : i32
      %jit3A_317 = arith.constant 0 : i32
      %broadcast_in_dim3A_318 = vector.broadcast %jit3A_316 : i32 to vector<16xi32>
      %broadcast_in_dim3A_319 = vector.broadcast %jit3A_317 : i32 to vector<16xi32>
      %select_n3A_320 = arith.select %ne3A_315, %broadcast_in_dim3A_318, %broadcast_in_dim3A_319 : vector<16xi1>, vector<16xi32>
      %cumsum3A_321 = arith.constant true
      %cumsum3A_322 = vector.broadcast %cumsum3A_321 : i1 to vector<16xi1>
      %cumsum3A_323 = tpu.scan <sum>, %select_n3A_320 masked %cumsum3A_322 : vector<16xi32>, vector<16xi1> -> vector<16xi32>
      %add3A_324 = arith.addi %cumsum3A_323, %gather3A_310 : vector<16xi32>
      %add3A_325 = arith.constant 1 : i32
      %add3A_326 = vector.broadcast %add3A_325 : i32 to vector<16xi32>
      %add3A_327 = arith.addi %add3A_324, %add3A_326 : vector<16xi32>
      %jit3A_328 = arith.constant 1 : i32
      %broadcast_in_dim3A_329 = vector.broadcast %jit3A_328 : i32 to vector<16xi32>
      %select_n3A_330 = arith.select %ne3A_315, %add3A_327, %broadcast_in_dim3A_329 : vector<16xi1>, vector<16xi32>
      %swap3A_331 = arith.constant 144 : index
      %swap3A_332 = tpu.vector_load %arg9[%swap3A_331] {strides = array<i32>} : memref<208xi32, #tpu.memory_space<vmem>>, vector<16xi32>,
      tpu.vector_store %arg9[%swap3A_331], %select_n3A_330 {strides = array<i32>} : memref<208xi32, #tpu.memory_space<vmem>>, vector<16xi32>,
      %lt3A_333 = arith.constant 0 : i32
      %lt3A_334 = vector.broadcast %lt3A_333 : i32 to vector<16xi32>
      %lt3A_335 = arith.cmpi slt, %or3A_19, %lt3A_334 : vector<16xi32>
      %add3A_336 = arith.constant 16 : i32
      %add3A_337 = vector.broadcast %add3A_336 : i32 to vector<16xi32>
      %add3A_338 = arith.addi %or3A_19, %add3A_337 : vector<16xi32>
      %select_n3A_339 = arith.select %lt3A_335, %add3A_338, %or3A_19 : vector<16xi1>, vector<16xi32>
      %broadcast_in_dim3A_340 = vector.shape_cast %select_n3A_339 : vector<16xi32> to vector<16x1xi32>
      %gather3A_341 = vector.shape_cast %broadcast_in_dim3A_340 : vector<16x1xi32> to vector<16xi32>
      %gather3A_342 = tpu.dynamic_gather %add3A_324[%gather3A_341] in [0] : vector<16xi32>, vector<16xi32> -> vector<16xi32>
      %get3A_343 = arith.constant 160 : index
      %get3A_344 = tpu.vector_load %arg8[%get3A_343] {strides = array<i32>} : memref<208xi32, #tpu.memory_space<vmem>>, vector<16xi32>,
      %ne3A_345 = arith.constant 1 : i32
      %ne3A_346 = vector.broadcast %ne3A_345 : i32 to vector<16xi32>
      %ne3A_347 = arith.cmpi ne, %get3A_344, %ne3A_346 : vector<16xi32>
      %jit3A_348 = arith.constant 1 : i32
      %jit3A_349 = arith.constant 0 : i32
      %broadcast_in_dim3A_350 = vector.broadcast %jit3A_348 : i32 to vector<16xi32>
      %broadcast_in_dim3A_351 = vector.broadcast %jit3A_349 : i32 to vector<16xi32>
      %select_n3A_352 = arith.select %ne3A_347, %broadcast_in_dim3A_350, %broadcast_in_dim3A_351 : vector<16xi1>, vector<16xi32>
      %cumsum3A_353 = arith.constant true
      %cumsum3A_354 = vector.broadcast %cumsum3A_353 : i1 to vector<16xi1>
      %cumsum3A_355 = tpu.scan <sum>, %select_n3A_352 masked %cumsum3A_354 : vector<16xi32>, vector<16xi1> -> vector<16xi32>
      %add3A_356 = arith.addi %cumsum3A_355, %gather3A_342 : vector<16xi32>
      %add3A_357 = arith.constant 1 : i32
      %add3A_358 = vector.broadcast %add3A_357 : i32 to vector<16xi32>
      %add3A_359 = arith.addi %add3A_356, %add3A_358 : vector<16xi32>
      %jit3A_360 = arith.constant 1 : i32
      %broadcast_in_dim3A_361 = vector.broadcast %jit3A_360 : i32 to vector<16xi32>
      %select_n3A_362 = arith.select %ne3A_347, %add3A_359, %broadcast_in_dim3A_361 : vector<16xi1>, vector<16xi32>
      %swap3A_363 = arith.constant 160 : index
      %swap3A_364 = tpu.vector_load %arg9[%swap3A_363] {strides = array<i32>} : memref<208xi32, #tpu.memory_space<vmem>>, vector<16xi32>,
      tpu.vector_store %arg9[%swap3A_363], %select_n3A_362 {strides = array<i32>} : memref<208xi32, #tpu.memory_space<vmem>>, vector<16xi32>,
      %lt3A_365 = arith.constant 0 : i32
      %lt3A_366 = vector.broadcast %lt3A_365 : i32 to vector<16xi32>
      %lt3A_367 = arith.cmpi slt, %or3A_19, %lt3A_366 : vector<16xi32>
      %add3A_368 = arith.constant 16 : i32
      %add3A_369 = vector.broadcast %add3A_368 : i32 to vector<16xi32>
      %add3A_370 = arith.addi %or3A_19, %add3A_369 : vector<16xi32>
      %select_n3A_371 = arith.select %lt3A_367, %add3A_370, %or3A_19 : vector<16xi1>, vector<16xi32>
      %broadcast_in_dim3A_372 = vector.shape_cast %select_n3A_371 : vector<16xi32> to vector<16x1xi32>
      %gather3A_373 = vector.shape_cast %broadcast_in_dim3A_372 : vector<16x1xi32> to vector<16xi32>
      %gather3A_374 = tpu.dynamic_gather %add3A_356[%gather3A_373] in [0] : vector<16xi32>, vector<16xi32> -> vector<16xi32>
      %get3A_375 = arith.constant 176 : index
      %get3A_376 = tpu.vector_load %arg8[%get3A_375] {strides = array<i32>} : memref<208xi32, #tpu.memory_space<vmem>>, vector<16xi32>,
      %ne3A_377 = arith.constant 1 : i32
      %ne3A_378 = vector.broadcast %ne3A_377 : i32 to vector<16xi32>
      %ne3A_379 = arith.cmpi ne, %get3A_376, %ne3A_378 : vector<16xi32>
      %jit3A_380 = arith.constant 1 : i32
      %jit3A_381 = arith.constant 0 : i32
      %broadcast_in_dim3A_382 = vector.broadcast %jit3A_380 : i32 to vector<16xi32>
      %broadcast_in_dim3A_383 = vector.broadcast %jit3A_381 : i32 to vector<16xi32>
      %select_n3A_384 = arith.select %ne3A_379, %broadcast_in_dim3A_382, %broadcast_in_dim3A_383 : vector<16xi1>, vector<16xi32>
      %cumsum3A_385 = arith.constant true
      %cumsum3A_386 = vector.broadcast %cumsum3A_385 : i1 to vector<16xi1>
      %cumsum3A_387 = tpu.scan <sum>, %select_n3A_384 masked %cumsum3A_386 : vector<16xi32>, vector<16xi1> -> vector<16xi32>
      %add3A_388 = arith.addi %cumsum3A_387, %gather3A_374 : vector<16xi32>
      %add3A_389 = arith.constant 1 : i32
      %add3A_390 = vector.broadcast %add3A_389 : i32 to vector<16xi32>
      %add3A_391 = arith.addi %add3A_388, %add3A_390 : vector<16xi32>
      %jit3A_392 = arith.constant 1 : i32
      %broadcast_in_dim3A_393 = vector.broadcast %jit3A_392 : i32 to vector<16xi32>
      %select_n3A_394 = arith.select %ne3A_379, %add3A_391, %broadcast_in_dim3A_393 : vector<16xi1>, vector<16xi32>
      %swap3A_395 = arith.constant 176 : index
      %swap3A_396 = tpu.vector_load %arg9[%swap3A_395] {strides = array<i32>} : memref<208xi32, #tpu.memory_space<vmem>>, vector<16xi32>,
      tpu.vector_store %arg9[%swap3A_395], %select_n3A_394 {strides = array<i32>} : memref<208xi32, #tpu.memory_space<vmem>>, vector<16xi32>,
      %lt3A_397 = arith.constant 0 : i32
      %lt3A_398 = vector.broadcast %lt3A_397 : i32 to vector<16xi32>
      %lt3A_399 = arith.cmpi slt, %or3A_19, %lt3A_398 : vector<16xi32>
      %add3A_400 = arith.constant 16 : i32
      %add3A_401 = vector.broadcast %add3A_400 : i32 to vector<16xi32>
      %add3A_402 = arith.addi %or3A_19, %add3A_401 : vector<16xi32>
      %select_n3A_403 = arith.select %lt3A_399, %add3A_402, %or3A_19 : vector<16xi1>, vector<16xi32>
      %broadcast_in_dim3A_404 = vector.shape_cast %select_n3A_403 : vector<16xi32> to vector<16x1xi32>
      %gather3A_405 = vector.shape_cast %broadcast_in_dim3A_404 : vector<16x1xi32> to vector<16xi32>
      %gather3A_406 = tpu.dynamic_gather %add3A_388[%gather3A_405] in [0] : vector<16xi32>, vector<16xi32> -> vector<16xi32>
      %get3A_407 = arith.constant 192 : index
      %get3A_408 = tpu.vector_load %arg8[%get3A_407] {strides = array<i32>} : memref<208xi32, #tpu.memory_space<vmem>>, vector<16xi32>,
      %ne3A_409 = arith.constant 1 : i32
      %ne3A_410 = vector.broadcast %ne3A_409 : i32 to vector<16xi32>
      %ne3A_411 = arith.cmpi ne, %get3A_408, %ne3A_410 : vector<16xi32>
      %lt3A_412 = arith.constant 8 : i32
      %lt3A_413 = vector.broadcast %lt3A_412 : i32 to vector<16xi32>
      %lt3A_414 = arith.cmpi slt, %iota3A, %lt3A_413 : vector<16xi32>
      %and3A = arith.andi %ne3A_411, %lt3A_414 : vector<16xi1>
      %jit3A_415 = arith.constant 0 : i32
      %broadcast_in_dim3A_416 = vector.broadcast %jit3A_415 : i32 to vector<16xi32>
      %select_n3A_417 = arith.select %lt3A_414, %get3A_408, %broadcast_in_dim3A_416 : vector<16xi1>, vector<16xi32>
      %swap3A_418 = arith.constant 192 : index
      %swap3A_419 = tpu.vector_load %arg8[%swap3A_418] {strides = array<i32>} : memref<208xi32, #tpu.memory_space<vmem>>, vector<16xi32>,
      tpu.vector_store %arg8[%swap3A_418], %select_n3A_417 {strides = array<i32>} : memref<208xi32, #tpu.memory_space<vmem>>, vector<16xi32>,
      %jit3A_420 = arith.constant 1 : i32
      %jit3A_421 = arith.constant 0 : i32
      %broadcast_in_dim3A_422 = vector.broadcast %jit3A_420 : i32 to vector<16xi32>
      %broadcast_in_dim3A_423 = vector.broadcast %jit3A_421 : i32 to vector<16xi32>
      %select_n3A_424 = arith.select %and3A, %broadcast_in_dim3A_422, %broadcast_in_dim3A_423 : vector<16xi1>, vector<16xi32>
      %cumsum3A_425 = arith.constant true
      %cumsum3A_426 = vector.broadcast %cumsum3A_425 : i1 to vector<16xi1>
      %cumsum3A_427 = tpu.scan <sum>, %select_n3A_424 masked %cumsum3A_426 : vector<16xi32>, vector<16xi1> -> vector<16xi32>
      %add3A_428 = arith.addi %cumsum3A_427, %gather3A_406 : vector<16xi32>
      %add3A_429 = arith.constant 1 : i32
      %add3A_430 = vector.broadcast %add3A_429 : i32 to vector<16xi32>
      %add3A_431 = arith.addi %add3A_428, %add3A_430 : vector<16xi32>
      %jit3A_432 = arith.constant 1 : i32
      %broadcast_in_dim3A_433 = vector.broadcast %jit3A_432 : i32 to vector<16xi32>
      %select_n3A_434 = arith.select %and3A, %add3A_431, %broadcast_in_dim3A_433 : vector<16xi1>, vector<16xi32>
      %swap3A_435 = arith.constant 192 : index
      %swap3A_436 = tpu.vector_load %arg9[%swap3A_435] {strides = array<i32>} : memref<208xi32, #tpu.memory_space<vmem>>, vector<16xi32>,
      tpu.vector_store %arg9[%swap3A_435], %select_n3A_434 {strides = array<i32>} : memref<208xi32, #tpu.memory_space<vmem>>, vector<16xi32>,
      %lt3A_437 = arith.constant 0 : i32
      %lt3A_438 = vector.broadcast %lt3A_437 : i32 to vector<16xi32>
      %lt3A_439 = arith.cmpi slt, %or3A_19, %lt3A_438 : vector<16xi32>
      %add3A_440 = arith.constant 16 : i32
      %add3A_441 = vector.broadcast %add3A_440 : i32 to vector<16xi32>
      %add3A_442 = arith.addi %or3A_19, %add3A_441 : vector<16xi32>
      %select_n3A_443 = arith.select %lt3A_439, %add3A_442, %or3A_19 : vector<16xi1>, vector<16xi32>
      %broadcast_in_dim3A_444 = vector.shape_cast %select_n3A_443 : vector<16xi32> to vector<16x1xi32>
      %gather3A_445 = vector.shape_cast %broadcast_in_dim3A_444 : vector<16x1xi32> to vector<16xi32>
      %gather3A_446 = tpu.dynamic_gather %add3A_428[%gather3A_445] in [0] : vector<16xi32>, vector<16xi32> -> vector<16xi32>
      %dma_start3A = arith.constant 0 : i32
      %dma_start3A_447 = arith.constant 0 : i32
      %dma_start3A_448 = tpu.memref_slice %arg3[%dma_start3A, %dma_start3A_447] : memref<100000x64xf32, #tpu.memory_space<hbm>> -> memref<100000x64xf32, #tpu.memory_space<hbm>>
      tpu.enqueue_indirect_dma source(%dma_start3A_448 : memref<100000x64xf32, #tpu.memory_space<hbm>>) target(%arg10 : memref<208x64xf32, #tpu.memory_space<vmem>>) offsets(%arg8 : memref<208xi32, #tpu.memory_space<vmem>>) semaphore(%arg15 : memref<!tpu.dma_semaphore, #tpu.memory_space<semaphore_mem>>)
      %dma_start3A_449 = arith.constant 0 : i32
      %dma_start3A_450 = arith.constant 0 : i32
      %dma_start3A_451 = tpu.memref_slice %arg4[%dma_start3A_449, %dma_start3A_450] : memref<1026x64xf32, #tpu.memory_space<hbm>> -> memref<1026x64xf32, #tpu.memory_space<hbm>>
      tpu.enqueue_indirect_dma source(%dma_start3A_451 : memref<1026x64xf32, #tpu.memory_space<hbm>>) target(%arg11 : memref<208x64xf32, #tpu.memory_space<vmem>>) offsets(%arg9 : memref<208xi32, #tpu.memory_space<vmem>>) semaphore(%arg16 : memref<!tpu.dma_semaphore, #tpu.memory_space<semaphore_mem>>)
      %dma_wait3A = arith.constant 0 : i32
      %dma_wait3A_452 = arith.constant 0 : i32
      %dma_wait3A_453 = tpu.memref_slice %arg3[%dma_wait3A, %dma_wait3A_452] : memref<100000x64xf32, #tpu.memory_space<hbm>> -> memref<100000x64xf32, #tpu.memory_space<hbm>>
      tpu.wait_indirect_dma semaphore(%arg15 : memref<!tpu.dma_semaphore, #tpu.memory_space<semaphore_mem>>) src(%dma_wait3A_453 : memref<100000x64xf32, #tpu.memory_space<hbm>>) dst(%arg10 : memref<208x64xf32, #tpu.memory_space<vmem>>)
      %dma_wait3A_454 = arith.constant 0 : i32
      %dma_wait3A_455 = arith.constant 0 : i32
      %dma_wait3A_456 = tpu.memref_slice %arg4[%dma_wait3A_454, %dma_wait3A_455] : memref<1026x64xf32, #tpu.memory_space<hbm>> -> memref<1026x64xf32, #tpu.memory_space<hbm>>
      tpu.wait_indirect_dma semaphore(%arg16 : memref<!tpu.dma_semaphore, #tpu.memory_space<semaphore_mem>>) src(%dma_wait3A_456 : memref<1026x64xf32, #tpu.memory_space<hbm>>) dst(%arg11 : memref<208x64xf32, #tpu.memory_space<vmem>>)
      %scan3A_457 = arith.constant 0 : i32
      %scan3A_458 = arith.constant 0 : i32
      %scan3A_459 = arith.constant 200 : i32
      %scan3A_460 = arith.addi %scan3A_458, %scan3A_459 : i32
      %scan3A_461 = arith.constant 1 : i32
      scf.for %scan3A_465 = %scan3A_458 to %scan3A_460 step %scan3A_461  : i32 {
        %get3A_466 = arith.index_cast %scan3A_465 : i32 to index
        %get3A_467 = arith.constant 0 : index
        %get3A_468 = tpu.vector_load %arg10[%get3A_466, %get3A_467] {strides = array<i32>} : memref<208x64xf32, #tpu.memory_space<vmem>>, vector<16xf32>,
        %mul3A_469 = arith.constant 8.000000e+00 : f32
        %mul3A_470 = vector.broadcast %mul3A_469 : f32 to vector<16xf32>
        %mul3A_471 = arith.mulf %mul3A_470, %get3A_468 : vector<16xf32>
        %get3A_472 = arith.index_cast %scan3A_465 : i32 to index
        %get3A_473 = arith.constant 0 : index
        %get3A_474 = tpu.vector_load %arg11[%get3A_472, %get3A_473] {strides = array<i32>} : memref<208x64xf32, #tpu.memory_space<vmem>>, vector<16xf32>,
        %add3A_475 = arith.addf %mul3A_471, %get3A_474 : vector<16xf32>
        %get3A_476 = arith.index_cast %scan3A_465 : i32 to index
        %get3A_477 = arith.constant 16 : index
        %get3A_478 = tpu.vector_load %arg10[%get3A_476, %get3A_477] {strides = array<i32>} : memref<208x64xf32, #tpu.memory_space<vmem>>, vector<16xf32>,
        %mul3A_479 = arith.constant 8.000000e+00 : f32
        %mul3A_480 = vector.broadcast %mul3A_479 : f32 to vector<16xf32>
        %mul3A_481 = arith.mulf %mul3A_480, %get3A_478 : vector<16xf32>
        %get3A_482 = arith.index_cast %scan3A_465 : i32 to index
        %get3A_483 = arith.constant 16 : index
        %get3A_484 = tpu.vector_load %arg11[%get3A_482, %get3A_483] {strides = array<i32>} : memref<208x64xf32, #tpu.memory_space<vmem>>, vector<16xf32>,
        %add3A_485 = arith.addf %mul3A_481, %get3A_484 : vector<16xf32>
        %get3A_486 = arith.index_cast %scan3A_465 : i32 to index
        %get3A_487 = arith.constant 32 : index
        %get3A_488 = tpu.vector_load %arg10[%get3A_486, %get3A_487] {strides = array<i32>} : memref<208x64xf32, #tpu.memory_space<vmem>>, vector<16xf32>,
        %mul3A_489 = arith.constant 8.000000e+00 : f32
        %mul3A_490 = vector.broadcast %mul3A_489 : f32 to vector<16xf32>
        %mul3A_491 = arith.mulf %mul3A_490, %get3A_488 : vector<16xf32>
        %get3A_492 = arith.index_cast %scan3A_465 : i32 to index
        %get3A_493 = arith.constant 32 : index
        %get3A_494 = tpu.vector_load %arg11[%get3A_492, %get3A_493] {strides = array<i32>} : memref<208x64xf32, #tpu.memory_space<vmem>>, vector<16xf32>,
        %add3A_495 = arith.addf %mul3A_491, %get3A_494 : vector<16xf32>
        %get3A_496 = arith.index_cast %scan3A_465 : i32 to index
        %get3A_497 = arith.constant 48 : index
        %get3A_498 = tpu.vector_load %arg10[%get3A_496, %get3A_497] {strides = array<i32>} : memref<208x64xf32, #tpu.memory_space<vmem>>, vector<16xf32>,
        %mul3A_499 = arith.constant 8.000000e+00 : f32
        %mul3A_500 = vector.broadcast %mul3A_499 : f32 to vector<16xf32>
        %mul3A_501 = arith.mulf %mul3A_500, %get3A_498 : vector<16xf32>
        %get3A_502 = arith.index_cast %scan3A_465 : i32 to index
        %get3A_503 = arith.constant 48 : index
        %get3A_504 = tpu.vector_load %arg11[%get3A_502, %get3A_503] {strides = array<i32>} : memref<208x64xf32, #tpu.memory_space<vmem>>, vector<16xf32>,
        %add3A_505 = arith.addf %mul3A_501, %get3A_504 : vector<16xf32>
        %add3A_506 = arith.addf %add3A_475, %add3A_485 : vector<16xf32>
        %add3A_507 = arith.addf %add3A_506, %add3A_495 : vector<16xf32>
        %add3A_508 = arith.addf %add3A_507, %add3A_505 : vector<16xf32>
        %xor3A = arith.constant 8 : i32
        %xor3A_509 = vector.broadcast %xor3A : i32 to vector<16xi32>
        %xor3A_510 = arith.xori %iota3A, %xor3A_509 : vector<16xi32>
        %lt3A_511 = arith.constant 0 : i32
        %lt3A_512 = vector.broadcast %lt3A_511 : i32 to vector<16xi32>
        %lt3A_513 = arith.cmpi slt, %xor3A_510, %lt3A_512 : vector<16xi32>
        %add3A_514 = arith.constant 16 : i32
        %add3A_515 = vector.broadcast %add3A_514 : i32 to vector<16xi32>
        %add3A_516 = arith.addi %xor3A_510, %add3A_515 : vector<16xi32>
        %select_n3A_517 = arith.select %lt3A_513, %add3A_516, %xor3A_510 : vector<16xi1>, vector<16xi32>
        %broadcast_in_dim3A_518 = vector.shape_cast %select_n3A_517 : vector<16xi32> to vector<16x1xi32>
        %gather3A_519 = vector.shape_cast %broadcast_in_dim3A_518 : vector<16x1xi32> to vector<16xi32>
        %gather3A_520 = tpu.dynamic_gather %add3A_508[%gather3A_519] in [0] : vector<16xf32>, vector<16xi32> -> vector<16xf32>
        %add3A_521 = arith.addf %add3A_508, %gather3A_520 : vector<16xf32>
        %xor3A_522 = arith.constant 4 : i32
        %xor3A_523 = vector.broadcast %xor3A_522 : i32 to vector<16xi32>
        %xor3A_524 = arith.xori %iota3A, %xor3A_523 : vector<16xi32>
        %lt3A_525 = arith.constant 0 : i32
        %lt3A_526 = vector.broadcast %lt3A_525 : i32 to vector<16xi32>
        %lt3A_527 = arith.cmpi slt, %xor3A_524, %lt3A_526 : vector<16xi32>
        %add3A_528 = arith.constant 16 : i32
        %add3A_529 = vector.broadcast %add3A_528 : i32 to vector<16xi32>
        %add3A_530 = arith.addi %xor3A_524, %add3A_529 : vector<16xi32>
        %select_n3A_531 = arith.select %lt3A_527, %add3A_530, %xor3A_524 : vector<16xi1>, vector<16xi32>
        %broadcast_in_dim3A_532 = vector.shape_cast %select_n3A_531 : vector<16xi32> to vector<16x1xi32>
        %gather3A_533 = vector.shape_cast %broadcast_in_dim3A_532 : vector<16x1xi32> to vector<16xi32>
        %gather3A_534 = tpu.dynamic_gather %add3A_521[%gather3A_533] in [0] : vector<16xf32>, vector<16xi32> -> vector<16xf32>
        %add3A_535 = arith.addf %add3A_521, %gather3A_534 : vector<16xf32>
        %xor3A_536 = arith.constant 2 : i32
        %xor3A_537 = vector.broadcast %xor3A_536 : i32 to vector<16xi32>
        %xor3A_538 = arith.xori %iota3A, %xor3A_537 : vector<16xi32>
        %lt3A_539 = arith.constant 0 : i32
        %lt3A_540 = vector.broadcast %lt3A_539 : i32 to vector<16xi32>
        %lt3A_541 = arith.cmpi slt, %xor3A_538, %lt3A_540 : vector<16xi32>
        %add3A_542 = arith.constant 16 : i32
        %add3A_543 = vector.broadcast %add3A_542 : i32 to vector<16xi32>
        %add3A_544 = arith.addi %xor3A_538, %add3A_543 : vector<16xi32>
        %select_n3A_545 = arith.select %lt3A_541, %add3A_544, %xor3A_538 : vector<16xi1>, vector<16xi32>
        %broadcast_in_dim3A_546 = vector.shape_cast %select_n3A_545 : vector<16xi32> to vector<16x1xi32>
        %gather3A_547 = vector.shape_cast %broadcast_in_dim3A_546 : vector<16x1xi32> to vector<16xi32>
        %gather3A_548 = tpu.dynamic_gather %add3A_535[%gather3A_547] in [0] : vector<16xf32>, vector<16xi32> -> vector<16xf32>
        %add3A_549 = arith.addf %add3A_535, %gather3A_548 : vector<16xf32>
        %xor3A_550 = arith.constant 1 : i32
        %xor3A_551 = vector.broadcast %xor3A_550 : i32 to vector<16xi32>
        %xor3A_552 = arith.xori %iota3A, %xor3A_551 : vector<16xi32>
        %lt3A_553 = arith.constant 0 : i32
        %lt3A_554 = vector.broadcast %lt3A_553 : i32 to vector<16xi32>
        %lt3A_555 = arith.cmpi slt, %xor3A_552, %lt3A_554 : vector<16xi32>
        %add3A_556 = arith.constant 16 : i32
        %add3A_557 = vector.broadcast %add3A_556 : i32 to vector<16xi32>
        %add3A_558 = arith.addi %xor3A_552, %add3A_557 : vector<16xi32>
        %select_n3A_559 = arith.select %lt3A_555, %add3A_558, %xor3A_552 : vector<16xi1>, vector<16xi32>
        %broadcast_in_dim3A_560 = vector.shape_cast %select_n3A_559 : vector<16xi32> to vector<16x1xi32>
        %gather3A_561 = vector.shape_cast %broadcast_in_dim3A_560 : vector<16x1xi32> to vector<16xi32>
        %gather3A_562 = tpu.dynamic_gather %add3A_549[%gather3A_561] in [0] : vector<16xf32>, vector<16xi32> -> vector<16xf32>
        %add3A_563 = arith.addf %add3A_549, %gather3A_562 : vector<16xf32>
        %mul3A_564 = arith.constant 1.562500e-02 : f32
        %mul3A_565 = vector.broadcast %mul3A_564 : f32 to vector<16xf32>
        %mul3A_566 = arith.mulf %add3A_563, %mul3A_565 : vector<16xf32>
        %sub3A = arith.subf %add3A_475, %mul3A_566 : vector<16xf32>
        %sub3A_567 = arith.subf %add3A_485, %mul3A_566 : vector<16xf32>
        %sub3A_568 = arith.subf %add3A_495, %mul3A_566 : vector<16xf32>
        %sub3A_569 = arith.subf %add3A_505, %mul3A_566 : vector<16xf32>
        %mul3A_570 = arith.mulf %sub3A, %sub3A : vector<16xf32>
        %mul3A_571 = arith.mulf %sub3A_567, %sub3A_567 : vector<16xf32>
        %add3A_572 = arith.addf %mul3A_570, %mul3A_571 : vector<16xf32>
        %mul3A_573 = arith.mulf %sub3A_568, %sub3A_568 : vector<16xf32>
        %add3A_574 = arith.addf %add3A_572, %mul3A_573 : vector<16xf32>
        %mul3A_575 = arith.mulf %sub3A_569, %sub3A_569 : vector<16xf32>
        %add3A_576 = arith.addf %add3A_574, %mul3A_575 : vector<16xf32>
        %xor3A_577 = arith.constant 8 : i32
        %xor3A_578 = vector.broadcast %xor3A_577 : i32 to vector<16xi32>
        %xor3A_579 = arith.xori %iota3A, %xor3A_578 : vector<16xi32>
        %lt3A_580 = arith.constant 0 : i32
        %lt3A_581 = vector.broadcast %lt3A_580 : i32 to vector<16xi32>
        %lt3A_582 = arith.cmpi slt, %xor3A_579, %lt3A_581 : vector<16xi32>
        %add3A_583 = arith.constant 16 : i32
        %add3A_584 = vector.broadcast %add3A_583 : i32 to vector<16xi32>
        %add3A_585 = arith.addi %xor3A_579, %add3A_584 : vector<16xi32>
        %select_n3A_586 = arith.select %lt3A_582, %add3A_585, %xor3A_579 : vector<16xi1>, vector<16xi32>
        %broadcast_in_dim3A_587 = vector.shape_cast %select_n3A_586 : vector<16xi32> to vector<16x1xi32>
        %gather3A_588 = vector.shape_cast %broadcast_in_dim3A_587 : vector<16x1xi32> to vector<16xi32>
        %gather3A_589 = tpu.dynamic_gather %add3A_576[%gather3A_588] in [0] : vector<16xf32>, vector<16xi32> -> vector<16xf32>
        %add3A_590 = arith.addf %add3A_576, %gather3A_589 : vector<16xf32>
        %xor3A_591 = arith.constant 4 : i32
        %xor3A_592 = vector.broadcast %xor3A_591 : i32 to vector<16xi32>
        %xor3A_593 = arith.xori %iota3A, %xor3A_592 : vector<16xi32>
        %lt3A_594 = arith.constant 0 : i32
        %lt3A_595 = vector.broadcast %lt3A_594 : i32 to vector<16xi32>
        %lt3A_596 = arith.cmpi slt, %xor3A_593, %lt3A_595 : vector<16xi32>
        %add3A_597 = arith.constant 16 : i32
        %add3A_598 = vector.broadcast %add3A_597 : i32 to vector<16xi32>
        %add3A_599 = arith.addi %xor3A_593, %add3A_598 : vector<16xi32>
        %select_n3A_600 = arith.select %lt3A_596, %add3A_599, %xor3A_593 : vector<16xi1>, vector<16xi32>
        %broadcast_in_dim3A_601 = vector.shape_cast %select_n3A_600 : vector<16xi32> to vector<16x1xi32>
        %gather3A_602 = vector.shape_cast %broadcast_in_dim3A_601 : vector<16x1xi32> to vector<16xi32>
        %gather3A_603 = tpu.dynamic_gather %add3A_590[%gather3A_602] in [0] : vector<16xf32>, vector<16xi32> -> vector<16xf32>
        %add3A_604 = arith.addf %add3A_590, %gather3A_603 : vector<16xf32>
        %xor3A_605 = arith.constant 2 : i32
        %xor3A_606 = vector.broadcast %xor3A_605 : i32 to vector<16xi32>
        %xor3A_607 = arith.xori %iota3A, %xor3A_606 : vector<16xi32>
        %lt3A_608 = arith.constant 0 : i32
        %lt3A_609 = vector.broadcast %lt3A_608 : i32 to vector<16xi32>
        %lt3A_610 = arith.cmpi slt, %xor3A_607, %lt3A_609 : vector<16xi32>
        %add3A_611 = arith.constant 16 : i32
        %add3A_612 = vector.broadcast %add3A_611 : i32 to vector<16xi32>
        %add3A_613 = arith.addi %xor3A_607, %add3A_612 : vector<16xi32>
        %select_n3A_614 = arith.select %lt3A_610, %add3A_613, %xor3A_607 : vector<16xi1>, vector<16xi32>
        %broadcast_in_dim3A_615 = vector.shape_cast %select_n3A_614 : vector<16xi32> to vector<16x1xi32>
        %gather3A_616 = vector.shape_cast %broadcast_in_dim3A_615 : vector<16x1xi32> to vector<16xi32>
        %gather3A_617 = tpu.dynamic_gather %add3A_604[%gather3A_616] in [0] : vector<16xf32>, vector<16xi32> -> vector<16xf32>
        %add3A_618 = arith.addf %add3A_604, %gather3A_617 : vector<16xf32>
        %xor3A_619 = arith.constant 1 : i32
        %xor3A_620 = vector.broadcast %xor3A_619 : i32 to vector<16xi32>
        %xor3A_621 = arith.xori %iota3A, %xor3A_620 : vector<16xi32>
        %lt3A_622 = arith.constant 0 : i32
        %lt3A_623 = vector.broadcast %lt3A_622 : i32 to vector<16xi32>
        %lt3A_624 = arith.cmpi slt, %xor3A_621, %lt3A_623 : vector<16xi32>
        %add3A_625 = arith.constant 16 : i32
        %add3A_626 = vector.broadcast %add3A_625 : i32 to vector<16xi32>
        %add3A_627 = arith.addi %xor3A_621, %add3A_626 : vector<16xi32>
        %select_n3A_628 = arith.select %lt3A_624, %add3A_627, %xor3A_621 : vector<16xi1>, vector<16xi32>
        %broadcast_in_dim3A_629 = vector.shape_cast %select_n3A_628 : vector<16xi32> to vector<16x1xi32>
        %gather3A_630 = vector.shape_cast %broadcast_in_dim3A_629 : vector<16x1xi32> to vector<16xi32>
        %gather3A_631 = tpu.dynamic_gather %add3A_618[%gather3A_630] in [0] : vector<16xf32>, vector<16xi32> -> vector<16xf32>
        %add3A_632 = arith.addf %add3A_618, %gather3A_631 : vector<16xf32>
        %mul3A_633 = arith.constant 1.562500e-02 : f32
        %mul3A_634 = vector.broadcast %mul3A_633 : f32 to vector<16xf32>
        %mul3A_635 = arith.mulf %add3A_632, %mul3A_634 : vector<16xf32>
        %add3A_636 = arith.constant 9.99999974E-6 : f32
        %add3A_637 = vector.broadcast %add3A_636 : f32 to vector<16xf32>
        %add3A_638 = arith.addf %mul3A_635, %add3A_637 : vector<16xf32>
        %bitcast_convert_type3A = tpu.bitcast %add3A_638 : vector<16xf32> -> vector<16xi32>
        %shift_right_arithmetic3A = arith.constant 1 : i32
        %shift_right_arithmetic3A_639 = vector.broadcast %shift_right_arithmetic3A : i32 to vector<16xi32>
        %shift_right_arithmetic3A_640 = arith.shrsi %bitcast_convert_type3A, %shift_right_arithmetic3A_639 : vector<16xi32>
        %sub3A_641 = arith.constant 1597463007 : i32
        %sub3A_642 = vector.broadcast %sub3A_641 : i32 to vector<16xi32>
        %sub3A_643 = arith.subi %sub3A_642, %shift_right_arithmetic3A_640 : vector<16xi32>
        %bitcast_convert_type3A_644 = tpu.bitcast %sub3A_643 : vector<16xi32> -> vector<16xf32>
        %mul3A_645 = arith.constant 5.000000e-01 : f32
        %mul3A_646 = vector.broadcast %mul3A_645 : f32 to vector<16xf32>
        %mul3A_647 = arith.mulf %mul3A_646, %add3A_638 : vector<16xf32>
        %mul3A_648 = arith.mulf %mul3A_647, %bitcast_convert_type3A_644 : vector<16xf32>
        %mul3A_649 = arith.mulf %mul3A_648, %bitcast_convert_type3A_644 : vector<16xf32>
        %sub3A_650 = arith.constant 1.500000e+00 : f32
        %sub3A_651 = vector.broadcast %sub3A_650 : f32 to vector<16xf32>
        %sub3A_652 = arith.subf %sub3A_651, %mul3A_649 : vector<16xf32>
        %mul3A_653 = arith.mulf %bitcast_convert_type3A_644, %sub3A_652 : vector<16xf32>
        %mul3A_654 = arith.mulf %mul3A_647, %mul3A_653 : vector<16xf32>
        %mul3A_655 = arith.mulf %mul3A_654, %mul3A_653 : vector<16xf32>
        %sub3A_656 = arith.constant 1.500000e+00 : f32
        %sub3A_657 = vector.broadcast %sub3A_656 : f32 to vector<16xf32>
        %sub3A_658 = arith.subf %sub3A_657, %mul3A_655 : vector<16xf32>
        %mul3A_659 = arith.mulf %mul3A_653, %sub3A_658 : vector<16xf32>
        %mul3A_660 = arith.mulf %mul3A_647, %mul3A_659 : vector<16xf32>
        %mul3A_661 = arith.mulf %mul3A_660, %mul3A_659 : vector<16xf32>
        %sub3A_662 = arith.constant 1.500000e+00 : f32
        %sub3A_663 = vector.broadcast %sub3A_662 : f32 to vector<16xf32>
        %sub3A_664 = arith.subf %sub3A_663, %mul3A_661 : vector<16xf32>
        %mul3A_665 = arith.mulf %mul3A_659, %sub3A_664 : vector<16xf32>
        %mul3A_666 = arith.mulf %sub3A, %mul3A_665 : vector<16xf32>
        %mul3A_667 = arith.mulf %mul3A_666, %get3A_3 : vector<16xf32>
        %add3A_668 = arith.addf %mul3A_667, %get3A_11 : vector<16xf32>
        %swap3A_669 = arith.index_cast %scan3A_465 : i32 to index
        %swap3A_670 = arith.constant 0 : index
        %swap3A_671 = tpu.vector_load %arg12[%swap3A_669, %swap3A_670] {strides = array<i32>} : memref<208x64xf32, #tpu.memory_space<vmem>>, vector<16xf32>,
        tpu.vector_store %arg12[%swap3A_669, %swap3A_670], %add3A_668 {strides = array<i32>} : memref<208x64xf32, #tpu.memory_space<vmem>>, vector<16xf32>,
        %mul3A_672 = arith.mulf %sub3A_567, %mul3A_665 : vector<16xf32>
        %mul3A_673 = arith.mulf %mul3A_672, %get3A_5 : vector<16xf32>
        %add3A_674 = arith.addf %mul3A_673, %get3A_13 : vector<16xf32>
        %swap3A_675 = arith.index_cast %scan3A_465 : i32 to index
        %swap3A_676 = arith.constant 16 : index
        %swap3A_677 = tpu.vector_load %arg12[%swap3A_675, %swap3A_676] {strides = array<i32>} : memref<208x64xf32, #tpu.memory_space<vmem>>, vector<16xf32>,
        tpu.vector_store %arg12[%swap3A_675, %swap3A_676], %add3A_674 {strides = array<i32>} : memref<208x64xf32, #tpu.memory_space<vmem>>, vector<16xf32>,
        %mul3A_678 = arith.mulf %sub3A_568, %mul3A_665 : vector<16xf32>
        %mul3A_679 = arith.mulf %mul3A_678, %get3A_7 : vector<16xf32>
        %add3A_680 = arith.addf %mul3A_679, %get3A_15 : vector<16xf32>
        %swap3A_681 = arith.index_cast %scan3A_465 : i32 to index
        %swap3A_682 = arith.constant 32 : index
        %swap3A_683 = tpu.vector_load %arg12[%swap3A_681, %swap3A_682] {strides = array<i32>} : memref<208x64xf32, #tpu.memory_space<vmem>>, vector<16xf32>,
        tpu.vector_store %arg12[%swap3A_681, %swap3A_682], %add3A_680 {strides = array<i32>} : memref<208x64xf32, #tpu.memory_space<vmem>>, vector<16xf32>,
        %mul3A_684 = arith.mulf %sub3A_569, %mul3A_665 : vector<16xf32>
        %mul3A_685 = arith.mulf %mul3A_684, %get3A_9 : vector<16xf32>
        %add3A_686 = arith.addf %mul3A_685, %get3A_17 : vector<16xf32>
        %swap3A_687 = arith.index_cast %scan3A_465 : i32 to index
        %swap3A_688 = arith.constant 48 : index
        %swap3A_689 = tpu.vector_load %arg12[%swap3A_687, %swap3A_688] {strides = array<i32>} : memref<208x64xf32, #tpu.memory_space<vmem>>, vector<16xf32>,
        tpu.vector_store %arg12[%swap3A_687, %swap3A_688], %add3A_686 {strides = array<i32>} : memref<208x64xf32, #tpu.memory_space<vmem>>, vector<16xf32>,
      }
      %scan3A_462 = arith.constant 200 : i32
      %mul3A_463 = arith.constant 200 : i32
      %mul3A_464 = arith.muli %add3A_26, %mul3A_463 : i32
      "tpu.region"() ({
        %run_scoped3A = tpu.sem_alloc : memref<!tpu.dma_semaphore, #tpu.memory_space<semaphore_mem>>
        %dma_start3A_465 = arith.constant 0 : i32
        %dma_start3A_466 = arith.constant 0 : i32
        %dma_start3A_467 = tpu.memref_slice %arg12[%dma_start3A_465, %dma_start3A_466] : memref<208x64xf32, #tpu.memory_space<vmem>> -> memref<200x64xf32, #tpu.memory_space<vmem>>
        %dma_start3A_468 = arith.constant 0 : i32
        %dma_start3A_469 = tpu.memref_slice %arg7[%mul3A_464, %dma_start3A_468] : memref<819200x64xf32, #tpu.memory_space<hbm>> -> memref<200x64xf32, #tpu.memory_space<hbm>>
        %dma_start3A_470 = arith.constant 0 : i32
        %dma_start3A_471 = tpu.memref_slice %arg7[%mul3A_464, %dma_start3A_470] : memref<819200x64xf32, #tpu.memory_space<hbm>> -> memref<200x64xf32, #tpu.memory_space<hbm>>
        %dma_start3A_472 = arith.constant 0 : i32
        %dma_start3A_473 = arith.constant 0 : i32
        %dma_start3A_474 = tpu.memref_slice %arg12[%dma_start3A_472, %dma_start3A_473] : memref<208x64xf32, #tpu.memory_space<vmem>> -> memref<200x64xf32, #tpu.memory_space<vmem>>
        tpu.enqueue_dma source(%dma_start3A_474 : memref<200x64xf32, #tpu.memory_space<vmem>>) target(%dma_start3A_471 : memref<200x64xf32, #tpu.memory_space<hbm>>) target_semaphore(%run_scoped3A : memref<!tpu.dma_semaphore, #tpu.memory_space<semaphore_mem>>)
        %dma_wait3A_475 = arith.constant 0 : i32
        %dma_wait3A_476 = arith.constant 0 : i32
        %dma_wait3A_477 = tpu.memref_slice %arg12[%dma_wait3A_475, %dma_wait3A_476] : memref<208x64xf32, #tpu.memory_space<vmem>> -> memref<200x64xf32, #tpu.memory_space<vmem>>
        %dma_wait3A_478 = arith.constant 0 : i32
        %dma_wait3A_479 = tpu.memref_slice %arg7[%mul3A_464, %dma_wait3A_478] : memref<819200x64xf32, #tpu.memory_space<hbm>> -> memref<200x64xf32, #tpu.memory_space<hbm>>
        %dma_wait3A_480 = arith.constant 0 : i32
        %dma_wait3A_481 = tpu.memref_slice %arg7[%mul3A_464, %dma_wait3A_480] : memref<819200x64xf32, #tpu.memory_space<hbm>> -> memref<200x64xf32, #tpu.memory_space<hbm>>
        %dma_wait3A_482 = arith.constant 0 : i32
        %dma_wait3A_483 = arith.constant 0 : i32
        %dma_wait3A_484 = tpu.memref_slice %arg12[%dma_wait3A_482, %dma_wait3A_483] : memref<208x64xf32, #tpu.memory_space<vmem>> -> memref<200x64xf32, #tpu.memory_space<vmem>>
        tpu.wait_dma2 semaphore(%run_scoped3A : memref<!tpu.dma_semaphore, #tpu.memory_space<semaphore_mem>>) src(%dma_wait3A_484 : memref<200x64xf32, #tpu.memory_space<vmem>>) dst(%dma_wait3A_481 : memref<200x64xf32, #tpu.memory_space<hbm>>)
        tpu.yield
      }) : () -> ()
    }
    %scan3A_24 = arith.constant 128 : i32
    return
  }
}

</mosaic_0001>

<sc_bundles>
// kernel: kernel.3.cloned.1.call-start
scs
__scs_entry_jumppad:
0x0: {  	(pc) =	sbr.rel $0x88, $3  }
0x1: {  	(tag) =	ssettag $0x0;
	lr =	simm.s32 $0x1  }
0x2: {  	[smem:$0x3F9C] =	sst lr;
	_ =	strace $0xD0000000  }
0x3: {  	_ = 	snop  }
0x4: {  	_ = 	snop  }
0x5: {  	_ = 	snop  }
0x6: {  	_ = 	snop  }
0x7: {  	_ = 	snop  }
__scs_overlays_trampoline_lowered:
0x8: {  	[smem:$0x3FAB] =	sst s0  }
0x9: {  	[smem:$0x3FAC] =	sst s1  }
0xa: {  	[smem:$0x3FAD] =	sst s2  }
0xb: {  	[smem:$0x3FAE] =	sst s3  }
0xc: {  	[smem:$0x3FAF] =	sst s4  }
0xd: {  	[smem:$0x3FB0] =	sst s5  }
0xe: {  	[smem:$0x3FB1] =	sst s6  }
0xf: {  	[smem:$0x3FB2] =	sst s7  }
0x10: {  	[smem:$0x3FB3] =	sst s8  }
0x11: {  	[smem:$0x3FB4] =	sst s9;
	s0 =	simm.s32 @!p0 $0x0  }
0x12: {  	s1 =	sld [smem:$0x3F9A];
	s0 =	simm.s32 @p0 $0x1  }
0x13: {  	[smem:$0x3FB5] =	sst s0;
	s0 =	simm.s32 @!p1 $0x0  }
0x14: {  	s2 =	sld [smem:$0x3F99];
	s0 =	simm.s32 @p1 $0x1  }
0x15: {  	[smem:$0x3FB6] =	sst s0;
	s0 =	simm.s32 @!p2 $0x0  }
0x16: {  	s3 =	sld [smem:$0x3FDB];
	s0 =	simm.s32 @p2 $0x1  }
0x17: {  	s4 =	simm.s32 $0x1BF5;
	[smem:$0x3FB8] =	sst s0  }
0x18: {  	s0 =	sld [smem:$0x3F9B];
	_ =	swait.ge [sflag:s4], $0x0  }
0x19: {  	s7 =	sld [smem:$0x3F9C]  }
0x1a: {  	s8 =	sadd.s32 $0xFFFFE003, lr  }
0x1b: {  	s9 =	sadd.s32 $0xFFFFFEF7, lr;
	s5 =	simm.s32 $0xFFFFFFFF;
	p2 =	slt.u32 s8, $0xFFFFF086  }
0x1c: {  	p1 =	slt.u32 s9, $0xF7A;
	s5 =	simm.s32 @!p2 $0x0  }
0x1d: {  	s5 =	simm.s32 @p1 $0x1;
	p0 =	seq.s32 s7, s2  }
0x1e: {  	s7 =	smul.u32 @!p0 $0xF7A, s2;
	p2 =	seq.s32 @!p0 s5, $0x0  }
0x1f: {  	s9 =	smul.u32 $0xF7A, s1;
	s8 =	simm.s32 @!p0 $0x1BF5;
	p2 =	por !p2, p0  }
0x20: {  	[sflag:s8] =	ssyncset.s32 @!p0 $0xFFFFF086;
	s6 =	sadd.s32 @!p0 s3, s7;
	s7 =	simm.s32 @!p0 $0x108  }
0x21: {  	s3 =	sadd.s32 s3, s9;
	s6 =	sadd.s32 @!p0 $0x88, s6;
	s7 =	simm.s32 @p2 $0x1082  }
0x22: {  	[simem:s7], [sflag:s8] =	dma.local @!p0 [hbm:s6], $0xF7A  }
0x23: {  	s9 =	sor.u32 $0xD0000000, s2;
	s6 =	simm.s32 $0x108;
	_ =	swait.ge @!p0 [sflag:s8], $0x0  }
0x24: {  	s3 =	sadd.s32 $0x88, s3;
	s6 =	simm.s32 @!p1 $0x1082;
	[sflag:s4] =	ssyncset.s32 $0xFFFFF086  }
0x25: {  	[simem:s6], [sflag:s4] =	dma.local [hbm:s3], $0xF7A  }
0x26: {  	[smem:$0x3F9C] =	sst s1;
	(tag) =	ssettag s2;
	_ =	strace s9  }
0x27: {  	s1 =	sld [smem:$0x3FAC]  }
0x28: {  	s2 =	sld [smem:$0x3FAD]  }
0x29: {  	s4 =	sld [smem:$0x3FAF]  }
0x2a: {  	p0 =	seq.s32 s5, $0x0;
	s5 =	sld [smem:$0x3FB0]  }
0x2b: {  	s6 =	sld [smem:$0x3FB1]  }
0x2c: {  	s7 =	sld [smem:$0x3FB2]  }
0x2d: {  	s3 =	simm.s32 $0x108;
	s8 =	sld [smem:$0x3FB3]  }
0x2e: {  	s3 =	simm.s32 @!p0 $0x1082;
	s9 =	sld [smem:$0x3FB4]  }
0x2f: {  	lr =	sadd.s32 s0, s3;
	s0 =	sld [smem:$0x3FAB]  }
0x30: {  	s3 =	sld [smem:$0x3FAE]  }
0x31: {  	[smem:$0x3FB7] =	sst s10  }
0x32: {  	s10 =	sld [smem:$0x3FB5];
	_ =	sdelay $0x3  }
0x33: {  	p0 =	seq.s32 s10, $0x1;
	s10 =	sld [smem:$0x3FB7];
	_ =	sdelay $0x3  }
0x34: {  	[smem:$0x3FB7] =	sst s10  }
0x35: {  	s10 =	sld [smem:$0x3FB6];
	_ =	sdelay $0x3  }
0x36: {  	p1 =	seq.s32 s10, $0x1;
	s10 =	sld [smem:$0x3FB7];
	_ =	sdelay $0x3  }
0x37: {  	[smem:$0x3FB7] =	sst s10  }
0x38: {  	s10 =	sld [smem:$0x3FB8]  }
0x39: {  	_ = 	snop;
	(pc) =	sbr.ind lr, $3  }
0x3a: {  	_ = 	snop  }
0x3b: {  	_ = 	snop  }
0x3c: {  	p2 =	seq.s32 s10, $0x1;
	s10 =	sld [smem:$0x3FB7]  }
0x3d: {  	_ =	shalt  }
0x3e: {  	_ =	shalt  }
0x3f: {  	_ =	shalt  }
0x40: {  	_ =	shalt  }
0x41: {  	_ =	shalt  }
0x42: {  	_ =	shalt  }
0x43: {  	_ =	shalt  }
0x44: {  	_ =	shalt  }
0x45: {  	_ =	shalt  }
0x46: {  	_ =	shalt  }
0x47: {  	_ =	shalt  }
0x48: {  	_ =	shalt  }
0x49: {  	_ =	shalt  }
0x4a: {  	_ =	shalt  }
0x4b: {  	_ =	shalt  }
0x4c: {  	_ =	shalt  }
0x4d: {  	_ =	shalt  }
0x4e: {  	_ =	shalt  }
0x4f: {  	_ =	shalt  }
0x50: {  	_ =	shalt  }
0x51: {  	_ =	shalt  }
0x52: {  	_ =	shalt  }
0x53: {  	_ =	shalt  }
0x54: {  	_ =	shalt  }
0x55: {  	_ =	shalt  }
0x56: {  	_ =	shalt  }
0x57: {  	_ =	shalt  }
0x58: {  	_ =	shalt  }
0x59: {  	_ =	shalt  }
0x5a: {  	_ =	shalt  }
0x5b: {  	_ =	shalt  }
0x5c: {  	_ =	shalt  }
0x5d: {  	_ =	shalt  }
0x5e: {  	_ =	shalt  }
0x5f: {  	_ =	shalt  }
0x60: {  	_ =	shalt  }
0x61: {  	_ =	shalt  }
0x62: {  	_ =	shalt  }
0x63: {  	_ =	shalt  }
0x64: {  	_ =	shalt  }
0x65: {  	_ =	shalt  }
0x66: {  	_ =	shalt  }
0x67: {  	_ =	shalt  }
0x68: {  	_ =	shalt  }
0x69: {  	_ =	shalt  }
0x6a: {  	_ =	shalt  }
0x6b: {  	_ =	shalt  }
0x6c: {  	_ =	shalt  }
0x6d: {  	_ =	shalt  }
0x6e: {  	_ =	shalt  }
0x6f: {  	_ =	shalt  }
0x70: {  	_ =	shalt  }
0x71: {  	_ =	shalt  }
0x72: {  	_ =	shalt  }
0x73: {  	_ =	shalt  }
0x74: {  	_ =	shalt  }
0x75: {  	_ =	shalt  }
0x76: {  	_ =	shalt  }
0x77: {  	_ =	shalt  }
0x78: {  	_ =	shalt  }
0x79: {  	_ =	shalt  }
0x7a: {  	_ =	shalt  }
0x7b: {  	_ =	shalt  }
0x7c: {  	_ =	shalt  }
0x7d: {  	_ =	shalt  }
0x7e: {  	_ =	shalt  }
0x7f: {  	_ =	shalt  }
0x80: {  	_ =	shalt  }
0x81: {  	_ =	shalt  }
0x82: {  	_ =	shalt  }
0x83: {  	_ =	shalt  }
0x84: {  	_ =	shalt  }
0x85: {  	_ =	shalt  }
0x86: {  	_ =	shalt  }
0x87: {  	_ =	shalt  }
.Lfunc_end0:
.L_simem_size_0:
called_computation.1_lowered:
.L_overlay_start_0:
0x88: {  	s2 =	sld [smem:$0x3FD9]  }
0x89: {  	s3 =	sld [smem:$0x3FFE];
	_ =	sdelay $0x1  }
0x8a: {  	s1 =	srdreg.scid  }
0x8b: {  	s0 =	sand.u32 $0x1, s1  }
0x8c: {  	s17 =	sshll.u32 s0, $0xA;
	s2 =	sadd.s32 s3, s2  }
0x8d: {  	s2 =	sadd.s32 s2, s17  }
0x8e: {  	[smem:$0x3FC3] =	sst s2  }
0x8f: {  	_ = 	snop  }
0x90: {  	s2 =	sld [smem:$0x3FC6]  }
0x91: {  	s18 =	sld [smem:$0x3FC5]  }
0x92: {  	s4 =	sld [smem:$0x3FD0];
	(tm) =	ssettm $0x1  }
0x93: {  	s5 =	sld [smem:$0x3FFB];
	_ =	sdelay $0x3  }
0x94: {  	_ =	strace s5  }
0x95: {  	s5 =	sld [smem:$0x3FFC];
	_ =	sdelay $0x3  }
0x96: {  	_ =	strace s5  }
0x97: {  	s5 =	sld [smem:$0x3FFD];
	_ =	sdelay $0x3  }
0x98: {  	_ =	strace s5  }
0x99: {  	_ =	strace $0x8FFFFFFF  }
0x9a: {  	s19 =	sld [smem:$0x3FDB];
	_ =	sdelay $0x1  }
0x9b: {  	s6 =	simm.s32 $_scs_section_size  }
0x9c: {  	s7 =	simm.s32 $_size__tile_overlayer_lowered;
	s8 =	simm.s32 $_tile_overlayer_lowered  }
0x9d: {  	s22 =	simm.s32 $0x1BFF;
	s21 =	sshll.u32 s8, $0x1;
	s5 =	sadd.s32 s6, s19  }
0x9e: {  	s9 =	simm.s32 $0x0;
	s20 =	sshll.u32 s7, $0x1;
	s7 =	sadd.s32 s21, s5  }
0x9f: {  	[timem:s9], [sflag:s22] =	dma.local [hbm:s7], s20  }
0xa0: {  	_ =	swait.ge [sflag:s22], s20  }
0xa1: {  	s6 =	ssub.s32 $0x0, s20;
	[sflag:s22] =	ssyncset.done $0x0  }
0xa2: {  	[sflag:s22] =	ssyncadd.s32 s6;
	_ =	sdelay $0x1  }
0xa3: {  	s23 =	simm.s32 $0x1B8B  }
0xa4: {  	_ =	swait.ge [sflag:s23], $0x1  }
0xa5: {  	[sflag:s23] =	ssyncset.done $0x0  }
0xa6: {  	s25 =	simm.s32 $0x1B8E;
	s24 =	sld [smem:$0x3FFE];
	[sflag:s23] =	ssyncadd.s32 $0xFFFFFFFF  }
0xa7: {  	s26 =	simm.s32 $execute0_lowered;
	[smem:$0x3FD2] =	sst s25  }
0xa8: {  	s7 =	sshll.u32 s26, $0x1;
	_ =	strace $0x80000046;
	[dreg:$0x1] =	wrdreg $0xFFFFFFFF  }
0xa9: {  	s28 =	simm.s32 $_size_execute0_lowered;
	s5 =	sadd.s32 s5, s7;
	[dreg:$0x0] =	wrdreg $0x0  }
0xaa: {  	s7 =	sshll.u32 s28, $0x1;
	[dreg:$0x2] =	wrdreg s5  }
0xab: {  	[dreg:$0x3] =	wrdreg s7  }
0xac: {  	[dreg:$0x4] =	wrdreg $0xC0  }
0xad: {  	_ =	task [dreg:s9], $0x5FFFF  }
0xae: {  	[dreg:$0x1] =	wrdreg $0xFFFFFFFF  }
0xaf: {  	[dreg:$0x0] =	wrdreg $0x60  }
0xb0: {  	[dreg:$0x2] =	wrdreg s24  }
0xb1: {  	[dreg:$0x3] =	wrdreg s2  }
0xb2: {  	[dreg:$0x4] =	wrdreg s18  }
0xb3: {  	[dreg:$0x5] =	wrdreg s4  }
0xb4: {  	[dreg:$0x6] =	wrdreg $0x9  }
0xb5: {  	_ =	task.clear_ibuf [dreg:s9], $0x7FFFF;
	_ =	strace $0x90000046  }
0xb6: {  	s29 =	simm.s32 $0x9;
	_ =	strace $0x80000048  }
0xb7: {  	_ =	swait.ge [sflag:s29], $0x1  }
0xb8: {  	[sflag:s29] =	ssyncadd.s32 $0xFFFFFFFF  }
0xb9: {  	_ =	strace $0x90000048  }
0xba: {  	_ =	sfence  }
0xbb: {  	s30 =	sld [smem:$0x0];
	_ =	sdelay $0x2  }
0xbc: {  	s31 =	sshll.u32 s1, $0xD;
	s1 =	sshrl.u32 s1, $0x2  }
0xbd: {  	s3 =	sand.u32 $0x4000, s31;
	s1 =	sadd.s32 s1, s30  }
0xbe: {  	s0 =	sor.u32 s3, s0;
	s1 =	sshll.u32 s1, $0x11  }
0xbf: {  	s0 =	sor.u32 s1, s0  }
0xc0: {  	s0 =	sadd.s32 $0x8F2B, s0  }
0xc1: {  	[sflag:s0] =	ssyncadd.remote.s32 $0x1  }
0xc2: {  	_ =	sfence.sel $0xFFFF  }
0xc3: {  	[dreg:$0x0] =	wrdreg $0xFFFFFFFF;
	(pc) =	sbr.abs _section_cstart, $3  }
0xc4: {  	[dreg:$0x1] =	wrdreg $0xFFFFFFFF  }
0xc5: {  	_ =	task.clear_ibuf [dreg:s9], $0x2FFFF;
	_ =	strace $0x9FFFFFFF  }
0xc6: {  	(tm) =	ssettm $0x7FFFFFFF  }
0xc7: {  	_ =	shalt  }
tec
execute0_lowered:
.L_overlay_start_1:
0x0: {  	(tag) =	ssettag $0x1  }
0x1: {  	s7 =	rddreg [dreg:$0x0]  }
0x2: {  	s0 =	rddreg [dreg:$0x1];
	v0 =	vimm.s32 $0x76543210;
	v1 =	vimm.s32 $0xFEDCBA98  }
0x3: {  	s1 =	rddreg [dreg:$0x2];
	v2 =	vimm.s32 $0xBA98FEDC;
	v3 =	vimm.s32 $0x32107654;
	v4 =	vimm.s32 $0xDCFE98BA  }
0x4: {  	s3 =	rddreg [dreg:$0x3];
	v5 =	vimm.s32 $0x54761032;
	v6 =	vimm.s32 $0xEFCDAB89;
	v7 =	vimm.s32 $0x67452301  }
0x5: {  	s2 =	rddreg [dreg:$0x4];
	s4 =	simm.s32 $0x0;
	s5 =	srdreg.scid;
	v0 =	vunpack.c.l.s4.s8 v0;
	v1 =	vunpack.c.l.s4.s8 v1;
	v2 =	vunpack.c.l.s4.s8 v2  }
0x6: {  	s12 =	simm.s32 $0x3;
	s13 =	simm.s32 $0x9DE0;
	s14 =	simm.s32 $0xD0;
	v3 =	vunpack.c.l.s4.s8 v3;
	v4 =	vunpack.c.l.s4.s8 v4;
	v5 =	vunpack.c.l.s4.s8 v5  }
0x7: {  	s15 =	simm.s32 $0x1A0;
	s16 =	simm.s32 $0x35A0;
	s17 =	simm.s32 $0x1;
	v6 =	vunpack.c.l.s4.s8 v6;
	v7 =	vunpack.c.l.s4.s8 v7;
	v2 =	vunpack.c.0.s8.s32 v2  }
0x8: {  	s18 =	simm.s32 $0x2;
	s19 =	simm.s32 $0x69A0;
	s20 =	simm.s32 $0x0;
	v3 =	vunpack.c.0.s8.s32 v3;
	v4 =	vunpack.c.0.s8.s32 v4;
	v5 =	vunpack.c.0.s8.s32 v5  }
0x9: {  	[smem:$0x7FF] =	sst s4;
	s9 =	sand.u32 $0x1, s5;
	s5 =	sadd.s32 $0x2A00, s7;
	v1 =	vunpack.c.0.s8.s32 v1;
	v6 =	vunpack.c.0.s8.s32 v6;
	v7 =	vunpack.c.0.s8.s32 v7  }
0xa: {  	vm0 =	vmmov $0xff;
	s6 =	sadd.s32 $0x1BA00, s7;
	s8 =	sadd.s32 $0x800, s7;
	s10 =	ssub.s32 $0x2, s9;
	v3 =	vcombine.low v3, v2;
	v2 =	vunpack.c.0.s8.s32 v0  }
0xb: {  	s7 =	stileid.u32;
	_ =	strace $0x80000047;
	s11 =	sshrl.u32 s10, $0x1;
	v4 =	vcombine.low v5, v4;
	v5 =	vand.u32 $0xF, v1;
	v6 =	vcombine.low v7, v6  }
0xc: {  	s31 =	sshll.u32 s7, $0x8;
	s9 =	sshll.u32 s9, $0x7;
	s10 =	ssub.s32 s10, s11;
	v0 =	vimm.s32 $0x0;
	v1 =	vimm.s32 $0xF;
	v2 =	vcombine.low v5, v2  }
0xd: {  	s9 =	sor.u32 s9, s31;
	s11 =	simm.s32 $0x9DA0;
	s10 =	smax.u32 s10, $0x1;
	v3 =	vand.u32 $0xF, v3;
	v4 =	vand.u32 $0xF, v4;
	v5 =	vand.u32 $0xF, v6  }
.LBB2_1:
0xe: {  	[tilespmem:s11], [sflag:$0x3] =	stream.linear.gather [hbm4b:s0+s4], $0x40, $0x38;
	[tilespmem:$0x9E20] =	vst v63  }
0xf: {  	_ =	swait.ge [sflag:s12], $0x40  }
0x10: {  	[sflag:s12] =	ssyncset.done $0x0  }
0x11: {  	[sflag:s12] =	ssyncadd.s32 $0xFFFFFFC0  }
0x12: {  	[tilespmem:s13], [sflag:$0x3] =	stream.linear.gather [hbm4b:s1+s4], $0x40, $0x38;
	[tilespmem:$0x9E20] =	vst v63  }
0x13: {  	_ =	swait.ge [sflag:s12], $0x40  }
0x14: {  	[sflag:s12] =	ssyncset.done $0x0  }
0x15: {  	[sflag:s12] =	ssyncadd.s32 $0xFFFFFFC0  }
0x16: {  	v6 =	vld [tilespmem:$0x9DA0]  }
0x17: {  	v7 =	vld [tilespmem:$0x9DB0]  }
0x18: {  	v8 =	vld [tilespmem:$0x9DC0]  }
0x19: {  	v9 =	vld [tilespmem:$0x9DD0]  }
0x1a: {  	v13 =	vld [tilespmem:$0x9E10]  }
0x1b: {  	v10 =	vld [tilespmem:$0x9DE0]  }
0x1c: {  	v11 =	vld [tilespmem:$0x9DF0]  }
0x1d: {  	s21 =	simm.s32 $0x0;
	v12 =	vld [tilespmem:$0x9E00]  }
.LBB2_2:
0x1e: {  	s22 =	sadd.s32 s9, s21  }
0x1f: {  	s23 =	smul.u32 $0x19, s22;
	_ =	sdelay $0x1  }
0x20: {  	s31 =	simm.s32 $0x0;
	s24 =	sadd.s32 s5, s23  }
0x21: {  	[tilespmem:s31], [sflag:$0x3] =	stream.linear.gather [hbm4b:s24+s31], $0xC8, $0x38;
	[tilespmem:$0x9E20] =	vst v63  }
0x22: {  	_ =	swait.ge [sflag:s12], $0xC8  }
0x23: {  	[sflag:s12] =	ssyncset.done $0x0  }
0x24: {  	[sflag:s12] =	ssyncadd.s32 $0xFFFFFF38  }
0x25: {  	v14 =	vld [tilespmem:$0x0];
	_ =	sdelay $0x2  }
0x26: {  	v15 =	vld [tilespmem:$0x10];
	_ =	sdelay $0x1  }
0x27: {  	vm5 =	vne.s32 v14, $0x1;
	v14 =	vld [tilespmem:$0x20];
	_ =	sdelay $0x1  }
0x28: {  	v16 =	vsel vm5, $0x1, v0  }
0x29: {  	vm6 =	vne.s32 v15, $0x1;
	(xrf0) =	vadd.scan.msk.s32 $0xffff, v16  }
0x2a: {  	v15 =	vsel vm6, $0x1, v0;
	v16 =	vld [tilespmem:$0x30]  }
0x2b: {  	(xrf0) =	vadd.scan.msk.s32 $0xffff, v15;
	vm2 =	vne.s32 v14, $0x1  }
0x2c: {  	v14 =	vsel vm2, $0x1, v0  }
0x2d: {  	v15 =	vld [tilespmem:$0x40]  }
0x2e: {  	(xrf0) =	vadd.scan.msk.s32 $0xffff, v14  }
0x2f: {  	vm3 =	vne.s32 v16, $0x1;
	v14, _, _ =	vpop (xrf0)  }
0x30: {  	v18 =	vld [tilespmem:$0x50];
	v17 =	vsel vm3, $0x1, v0;
	v16 =	vperm.xlane v14, v1  }
0x31: {  	(xrf0) =	vadd.scan.msk.s32 $0xffff, v17;
	v19, _, _ =	vpop (xrf0)  }
0x32: {  	vm1 =	vne.s32 v15, $0x1;
	v16 =	vadd.s32 v16, v19  }
0x33: {  	v17 =	vsel vm1, $0x1, v0;
	v19 =	vld [tilespmem:$0x60];
	v15 =	vperm.xlane v16, v1  }
0x34: {  	(xrf0) =	vadd.scan.msk.s32 $0xffff, v17;
	v20, _, _ =	vpop (xrf0)  }
0x35: {  	vm4 =	vne.s32 v18, $0x1;
	v15 =	vadd.s32 v15, v20  }
0x36: {  	v18 =	vsel vm4, $0x1, v0;
	v20 =	vld [tilespmem:$0x70];
	v17 =	vperm.xlane v15, v1  }
0x37: {  	v21, _, _ =	vpop (xrf0);
	(xrf0) =	vadd.scan.msk.s32 $0xffff, v18  }
0x38: {  	vm7 =	vne.s32 v19, $0x1;
	v17 =	vadd.s32 v17, v21  }
0x39: {  	v19 =	vsel vm7, $0x1, v0;
	v21 =	vld [tilespmem:$0x80];
	v18 =	vperm.xlane v17, v1  }
0x3a: {  	v22, _, _ =	vpop (xrf0);
	(xrf0) =	vadd.scan.msk.s32 $0xffff, v19  }
0x3b: {  	vm8 =	vne.s32 v20, $0x1;
	v18 =	vadd.s32 v18, v22  }
0x3c: {  	v20 =	vsel vm8, $0x1, v0;
	v22 =	vld [tilespmem:$0x90];
	v19 =	vperm.xlane v18, v1  }
0x3d: {  	v23, _, _ =	vpop (xrf0);
	(xrf0) =	vadd.scan.msk.s32 $0xffff, v20  }
0x3e: {  	vm9 =	vne.s32 v21, $0x1;
	v19 =	vadd.s32 v19, v23  }
0x3f: {  	v21 =	vsel vm9, $0x1, v0;
	v23 =	vld [tilespmem:$0xA0];
	v20 =	vperm.xlane v19, v1  }
0x40: {  	v24, _, _ =	vpop (xrf0);
	(xrf0) =	vadd.scan.msk.s32 $0xffff, v21  }
0x41: {  	vm10 =	vne.s32 v22, $0x1;
	v20 =	vadd.s32 v20, v24  }
0x42: {  	v22 =	vsel vm10, $0x1, v0;
	v24 =	vld [tilespmem:$0xB0];
	v21 =	vperm.xlane v20, v1  }
0x43: {  	v25, _, _ =	vpop (xrf0);
	(xrf0) =	vadd.scan.msk.s32 $0xffff, v22  }
0x44: {  	v14 =	vadd.s32 $0x1, v14;
	vm11 =	vne.s32 v23, $0x1;
	v21 =	vadd.s32 v21, v25  }
0x45: {  	v16 =	vadd.s32 $0x1, v16;
	v22 =	vld [tilespmem:$0xC0];
	v25 =	vsel vm11, $0x1, v0;
	v23 =	vperm.xlane v21, v1  }
0x46: {  	v14 =	vnsel vm5, $0x1, v14;
	v16 =	vnsel vm6, $0x1, v16;
	v26, _, _ =	vpop (xrf0);
	(xrf0) =	vadd.scan.msk.s32 $0xffff, v25  }
0x47: {  	[tilespmem:$0xD0] =	vst v14;
	v14 =	vadd.s32 $0x1, v15;
	vm15 =	vne.s32 v24, $0x1;
	v23 =	vadd.s32 v23, v26  }
0x48: {  	v17 =	vadd.s32 $0x1, v17;
	v24 =	vsel vm15, $0x1, v0;
	v15 =	vperm.xlane v23, v1  }
0x49: {  	[tilespmem:$0xE0] =	vst v16;
	v14 =	vnsel vm2, $0x1, v14;
	v17 =	vnsel vm3, $0x1, v17;
	v25, _, _ =	vpop (xrf0);
	(xrf0) =	vadd.scan.msk.s32 $0xffff, v24  }
0x4a: {  	[tilespmem:$0xF0] =	vst v14;
	v14 =	vadd.s32 $0x1, v18;
	vm2 =	vne.s32 v22, $0x1;
	v15 =	vadd.s32 v15, v25  }
0x4b: {  	[tilespmem:$0x100] =	vst v17;
	v14 =	vnsel vm1, $0x1, v14;
	vm2 =	vmand vm2, vm0;
	v16 =	vperm.xlane v15, v1  }
0x4c: {  	[tilespmem:$0x110] =	vst v14;
	v17 =	vadd.s32 $0x1, v19;
	v18 =	vsel vm2, $0x1, v0;
	v19, _, _ =	vpop (xrf0)  }
0x4d: {  	v17 =	vnsel vm4, $0x1, v17;
	v14 =	vadd.s32 $0x1, v20;
	(xrf0) =	vadd.scan.msk.s32 $0xffff, v18;
	v16 =	vadd.s32 v16, v19  }
0x4e: {  	[tilespmem:$0x120] =	vst v17;
	v14 =	vnsel vm7, $0x1, v14;
	v17 =	vadd.s32 $0x1, v21;
	v18 =	vperm.xlane v16, v1  }
0x4f: {  	[tilespmem:$0x130] =	vst v14;
	v17 =	vnsel vm8, $0x1, v17;
	v19, _, _ =	vpop (xrf0)  }
0x50: {  	[tilespmem:$0x140] =	vst v17;
	v14 =	vadd.s32 $0x1, v23;
	v17 =	vadd.s32 v18, v19  }
0x51: {  	v14 =	vnsel vm9, $0x1, v14;
	v15 =	vadd.s32 $0x1, v15  }
0x52: {  	[tilespmem:$0x150] =	vst v14;
	v15 =	vnsel vm10, $0x1, v15;
	v14 =	vadd.s32 $0x1, v16;
	v16 =	vperm.xlane v17, v1  }
0x53: {  	[tilespmem:$0x160] =	vst v15;
	v14 =	vnsel vm11, $0x1, v14;
	v15 =	vadd.s32 $0x1, v17;
	v17, _, _ =	vpop (xrf0)  }
0x54: {  	[tilespmem:$0x170] =	vst v14;
	v15 =	vnsel vm15, $0x1, v15;
	v14 =	vadd.s32 v17, v16  }
0x55: {  	[tilespmem:$0x180] =	vst v15;
	v15 =	vnsel vm0, $0x0, v22;
	v14 =	vadd.s32 $0x1, v14  }
0x56: {  	[tilespmem:$0xC0] =	vst v15;
	v14 =	vnsel vm2, $0x1, v14  }
0x57: {  	[tilespmem:$0x190] =	vst v14  }
0x58: {  	[tilespmem:s15], [sflag:$0x1] =	stream.indirect.gather [hbm4b:s6+s14], $0x40, s31, s14, $0xb8;
	[tilespmem:$0x9E20] =	vst v63  }
0x59: {  	_ = 	snop  }
0x5a: {  	[tilespmem:s16], [sflag:$0x2] =	stream.indirect.gather [hbm4b:s8+s14], $0x40, s14, s14, $0xb8;
	[tilespmem:$0x9E20] =	vst v63  }
0x5b: {  	_ =	swait.ge [sflag:s17], $0x3400  }
0x5c: {  	[sflag:s17] =	ssyncset.done $0x0  }
0x5d: {  	[sflag:s17] =	ssyncadd.s32 $0xFFFFCC00  }
0x5e: {  	_ =	swait.ge [sflag:s18], $0x3400  }
0x5f: {  	[sflag:s18] =	ssyncset.done $0x0  }
0x60: {  	s28 =	simm.s32 $0x0;
	[sflag:s18] =	ssyncadd.s32 $0xFFFFCC00  }
0x61: {  	v14 =	vld [tilespmem:s28+$0x35A0]  }
0x62: {  	v15 =	vld [tilespmem:s28+$0x1A0]  }
0x63: {  	v16 =	vld [tilespmem:s28+$0x1B0]  }
0x64: {  	v17 =	vld [tilespmem:s28+$0x1C0]  }
0x65: {  	v18 =	vld [tilespmem:s28+$0x35B0]  }
0x66: {  	v19 =	vld [tilespmem:s28+$0x35C0]  }
0x67: {  	v20 =	vld [tilespmem:s28+$0x1D0]  }
0x68: {  	v15 =	vmul.f32 $8.000000000e+00, v15;
	v16 =	vmul.f32 $8.000000000e+00, v16  }
0x69: {  	v21 =	vld [tilespmem:s28+$0x35D0]  }
0x6a: {  	v14 =	vadd.f32 v14, v15;
	v15 =	vmul.f32 $8.000000000e+00, v17;
	v16 =	vadd.f32 v18, v16;
	_ =	sdelay $0x1  }
0x6b: {  	v17 =	vmul.f32 $8.000000000e+00, v20;
	v15 =	vadd.f32 v19, v15;
	v18 =	vadd.f32 v16, v14;
	_ =	sdelay $0x1  }
0x6c: {  	v17 =	vadd.f32 v21, v17;
	v18 =	vadd.f32 v15, v18;
	_ =	sdelay $0x1  }
0x6d: {  	v18 =	vadd.f32 v17, v18;
	_ =	sdelay $0x1  }
0x6e: {  	v19 =	vperm.xlane v18, v2;
	_ =	sdelay $0x1  }
0x6f: {  	v18 =	vadd.f32 v18, v19;
	_ =	sdelay $0x1  }
0x70: {  	v19 =	vperm.xlane v18, v3  }
0x71: {  	s23 =	simm.s32 $0x40  }
0x72: {  	v23 =	vld [tilespmem:s23+$0x1C0];
	v18 =	vadd.f32 v18, v19  }
0x73: {  	v21 =	vld [tilespmem:s23+$0x1B0]  }
0x74: {  	v19 =	vld [tilespmem:s23+$0x1A0];
	v22 =	vperm.xlane v18, v4  }
0x75: {  	v24 =	vld [tilespmem:s23+$0x35B0]  }
0x76: {  	v20 =	vld [tilespmem:s23+$0x35A0];
	v18 =	vadd.f32 v18, v22  }
0x77: {  	v25 =	vld [tilespmem:s23+$0x1D0]  }
0x78: {  	v22 =	vld [tilespmem:s23+$0x35C0];
	v26 =	vperm.xlane v18, v5  }
0x79: {  	v21 =	vmul.f32 $8.000000000e+00, v21;
	v19 =	vmul.f32 $8.000000000e+00, v19  }
0x7a: {  	v27 =	vld [tilespmem:s23+$0x35D0];
	v18 =	vadd.f32 v18, v26  }
0x7b: {  	v24 =	vadd.f32 v24, v21;
	v19 =	vadd.f32 v20, v19;
	v20 =	vmul.f32 $8.000000000e+00, v23  }
0x7c: {  	v18 =	vmul.f32 $1.562500000e-02, v18  }
0x7d: {  	v21 =	vmul.f32 $8.000000000e+00, v25;
	v26 =	vadd.f32 v22, v20;
	v23 =	vadd.f32 v24, v19  }
0x7e: {  	v22 =	vsub.f32 v14, v18;
	v20 =	vsub.f32 v16, v18  }
0x7f: {  	v16 =	vadd.f32 v27, v21;
	v14 =	vadd.f32 v26, v23  }
0x80: {  	v21 =	vsub.f32 v15, v18  }
0x81: {  	v25 =	vmul.f32 v22, v22;
	v15 =	vmul.f32 v20, v20;
	v14 =	vadd.f32 v16, v14  }
0x82: {  	v23 =	vsub.f32 v17, v18  }
0x83: {  	v17 =	vmul.f32 v21, v21;
	v15 =	vadd.f32 v15, v25;
	v18 =	vperm.xlane v14, v2;
	_ =	sdelay $0x1  }
0x84: {  	v15 =	vadd.f32 v15, v17;
	v17 =	vmul.f32 v23, v23;
	v14 =	vadd.f32 v14, v18  }
0x85: {  	s24 =	simm.s32 $0x80  }
0x86: {  	v28 =	vld [tilespmem:s24+$0x1C0];
	v15 =	vadd.f32 v15, v17;
	v17 =	vperm.xlane v14, v3  }
0x87: {  	v25 =	vld [tilespmem:s24+$0x1A0]  }
0x88: {  	v27 =	vperm.xlane v15, v2;
	v14 =	vadd.f32 v14, v17;
	v17 =	vld [tilespmem:s24+$0x1B0]  }
0x89: {  	v29 =	vld [tilespmem:s24+$0x35B0]  }
0x8a: {  	v18 =	vld [tilespmem:s24+$0x35A0];
	v15 =	vadd.f32 v15, v27;
	v27 =	vperm.xlane v14, v4  }
0x8b: {  	v30 =	vld [tilespmem:s24+$0x35C0]  }
0x8c: {  	v32 =	vld [tilespmem:s24+$0x1D0];
	v31 =	vperm.xlane v15, v3;
	v14 =	vadd.f32 v14, v27  }
0x8d: {  	v25 =	vmul.f32 $8.000000000e+00, v25;
	v17 =	vmul.f32 $8.000000000e+00, v17  }
0x8e: {  	v27 =	vld [tilespmem:s24+$0x35D0];
	v15 =	vadd.f32 v15, v31;
	v31 =	vperm.xlane v14, v5  }
0x8f: {  	v28 =	vmul.f32 $8.000000000e+00, v28;
	v18 =	vadd.f32 v18, v25;
	v17 =	vadd.f32 v29, v17  }
0x90: {  	v25 =	vperm.xlane v15, v4;
	v14 =	vadd.f32 v14, v31  }
0x91: {  	v28 =	vadd.f32 v30, v28;
	v29 =	vmul.f32 $8.000000000e+00, v32;
	v30 =	vadd.f32 v17, v18  }
0x92: {  	v25 =	vadd.f32 v15, v25;
	v31 =	vmul.f32 $1.562500000e-02, v14  }
0x93: {  	v27 =	vadd.f32 v27, v29;
	v14 =	vadd.f32 v28, v30  }
0x94: {  	v30 =	vperm.xlane v25, v5;
	v29 =	vsub.f32 v19, v31;
	v15 =	vsub.f32 v24, v31  }
0x95: {  	v19 =	vadd.f32 v27, v14;
	v14 =	vsub.f32 v26, v31  }
0x96: {  	v24 =	vadd.f32 v25, v30;
	v25 =	vmul.f32 v29, v29;
	v26 =	vmul.f32 v15, v15  }
0x97: {  	v30 =	vsub.f32 v16, v31;
	v62 =	vperm.xlane v19, v2  }
0x98: {  	v24 =	vmul.f32 $1.562500000e-02, v24;
	v16 =	vadd.f32 v26, v25;
	v25 =	vmul.f32 v14, v14  }
0x99: {  	v19 =	vadd.f32 v19, v62  }
0x9a: {  	v24 =	vadd.f32 $9.999999740e-06, v24;
	v16 =	vadd.f32 v16, v25;
	v25 =	vmul.f32 v30, v30  }
0x9b: {  	s25 =	simm.s32 $0xC0;
	v31 =	vperm.xlane v19, v3  }
0x9c: {  	v63 =	vld [tilespmem:s25+$0x35C0];
	v26 =	vshra.s32 v24, $0x1;
	v24 =	vmul.f32 $5.000000000e-01, v24;
	v16 =	vadd.f32 v16, v25  }
0x9d: {  	v34 =	vld [tilespmem:s25+$0x1A0];
	v25 =	vsub.s32 $0x5F3759DF, v26  }
0x9e: {  	v35 =	vld [tilespmem:s25+$0x1B0];
	v19 =	vadd.f32 v19, v31;
	v33 =	vmul.f32 v25, v24;
	v31 =	vperm.xlane v16, v2  }
0x9f: {  	v36 =	vld [tilespmem:s25+$0x1C0]  }
0xa0: {  	v26 =	vld [tilespmem:s25+$0x35A0];
	v33 =	vmul.f32 v25, v33;
	v16 =	vadd.f32 v16, v31  }
0xa1: {  	v37 =	vperm.xlane v19, v4;
	v31 =	vld [tilespmem:s25+$0x35B0]  }
0xa2: {  	v38 =	vld [tilespmem:s25+$0x1D0];
	v33 =	vsub.f32 $1.500000000e+00, v33;
	v42 =	vperm.xlane v16, v3  }
0xa3: {  	v34 =	vmul.f32 $8.000000000e+00, v34;
	v19 =	vadd.f32 v19, v37  }
0xa4: {  	v44 =	vld [tilespmem:s25+$0x35D0];
	v43 =	vmul.f32 $8.000000000e+00, v35;
	v25 =	vmul.f32 v25, v33;
	v16 =	vadd.f32 v16, v42  }
0xa5: {  	v34 =	vadd.f32 v26, v34;
	v26 =	vmul.f32 $8.000000000e+00, v36;
	v39 =	vperm.xlane v19, v5  }
0xa6: {  	v31 =	vadd.f32 v31, v43;
	v45 =	vmul.f32 v25, v24;
	v46 =	vperm.xlane v16, v4  }
0xa7: {  	v32 =	vadd.f32 v63, v26;
	v26 =	vmul.f32 $8.000000000e+00, v38;
	v19 =	vadd.f32 v19, v39  }
0xa8: {  	v47 =	vadd.f32 v31, v34;
	v36 =	vmul.f32 v45, v25;
	v33 =	vadd.f32 v16, v46  }
0xa9: {  	v35 =	vadd.f32 v44, v26;
	v19 =	vmul.f32 $1.562500000e-02, v19  }
0xaa: {  	v48 =	vadd.f32 v32, v47;
	v26 =	vsub.f32 $1.500000000e+00, v36;
	v49 =	vperm.xlane v33, v5  }
0xab: {  	v18 =	vsub.f32 v18, v19;
	v16 =	vsub.f32 v17, v19  }
0xac: {  	v17 =	vsub.f32 v28, v19;
	v25 =	vmul.f32 v26, v25;
	v33 =	vadd.f32 v33, v49  }
0xad: {  	v50 =	vmul.f32 v18, v18;
	v28 =	vmul.f32 v16, v16;
	v26 =	vadd.f32 v35, v48  }
0xae: {  	v19 =	vsub.f32 v27, v19;
	v24 =	vmul.f32 v25, v24;
	v33 =	vmul.f32 $1.562500000e-02, v33  }
0xaf: {  	s26 =	simm.s32 $0x100;
	v27 =	vadd.f32 v28, v50;
	v28 =	vmul.f32 v17, v17;
	v51 =	vperm.xlane v26, v2  }
0xb0: {  	v43 =	vld [tilespmem:s26+$0x1D0];
	v24 =	vmul.f32 v24, v25;
	v33 =	vadd.f32 $9.999999740e-06, v33  }
0xb1: {  	v27 =	vadd.f32 v27, v28;
	v28 =	vmul.f32 v19, v19;
	v26 =	vadd.f32 v26, v51  }
0xb2: {  	v24 =	vsub.f32 $1.500000000e+00, v24;
	v52 =	vshra.s32 v33, $0x1;
	v33 =	vmul.f32 $5.000000000e-01, v33  }
0xb3: {  	v27 =	vadd.f32 v27, v28;
	v37 =	vperm.xlane v26, v3;
	v28 =	vsub.s32 $0x5F3759DF, v52  }
0xb4: {  	v54 =	vld [tilespmem:s26+$0x35A0];
	v55 =	vmul.f32 v28, v33;
	v24 =	vmul.f32 v24, v25  }
0xb5: {  	v60 =	vmul.f32 $8.000000000e+00, v43;
	v56 =	vperm.xlane v27, v2;
	v25 =	vld [tilespmem:s26+$0x1A0];
	v26 =	vadd.f32 v26, v37  }
0xb6: {  	v40 =	vld [tilespmem:s26+$0x1B0];
	v39 =	vmul.f32 v28, v55;
	v23 =	vmul.f32 v24, v23  }
0xb7: {  	v41 =	vld [tilespmem:s26+$0x1C0];
	v27 =	vadd.f32 v27, v56;
	v42 =	vperm.xlane v26, v4;
	v57 =	vmul.f32 v24, v22  }
0xb8: {  	v22 =	vld [tilespmem:s26+$0x35B0];
	v63 =	vmul.f32 v24, v20;
	v47 =	vmul.f32 v24, v21;
	v39 =	vsub.f32 $1.500000000e+00, v39  }
0xb9: {  	v53 =	vld [tilespmem:s26+$0x35C0];
	v23 =	vmul.f32 v23, v9;
	v42 =	vadd.f32 v26, v42;
	v26 =	vperm.xlane v27, v3  }
0xba: {  	v25 =	vmul.f32 $8.000000000e+00, v25;
	v39 =	vmul.f32 v28, v39  }
0xbb: {  	v58 =	vld [tilespmem:s26+$0x35D0];
	v28 =	vmul.f32 $8.000000000e+00, v40;
	v44 =	vperm.xlane v42, v5;
	v45 =	vadd.f32 v27, v26  }
0xbc: {  	v27 =	vmul.f32 $8.000000000e+00, v41;
	v25 =	vadd.f32 v54, v25;
	v59 =	vmul.f32 v39, v33  }
0xbd: {  	v26 =	vadd.f32 v22, v28;
	v22 =	vadd.f32 v42, v44;
	v28 =	vperm.xlane v45, v4  }
0xbe: {  	v24 =	vadd.f32 v23, v13;
	v27 =	vadd.f32 v53, v27;
	v36 =	vmul.f32 v59, v39  }
0xbf: {  	v61 =	vadd.f32 v26, v25;
	v42 =	vmul.f32 $1.562500000e-02, v22;
	v62 =	vadd.f32 v45, v28  }
0xc0: {  	v37 =	vmul.f32 v57, v6;
	v28 =	vadd.f32 v58, v60;
	v36 =	vsub.f32 $1.500000000e+00, v36  }
0xc1: {  	v21 =	vadd.f32 v27, v61;
	v22 =	vsub.f32 v34, v42;
	v23 =	vperm.xlane v62, v5  }
0xc2: {  	v57 =	vmul.f32 v63, v7;
	v20 =	vsub.f32 v31, v42;
	v31 =	vmul.f32 v36, v39  }
0xc3: {  	v48 =	vadd.f32 v28, v21;
	v49 =	vmul.f32 v22, v22;
	v50 =	vadd.f32 v62, v23  }
0xc4: {  	v21 =	vsub.f32 v32, v42;
	v51 =	vmul.f32 v20, v20;
	v33 =	vmul.f32 v31, v33  }
0xc5: {  	v23 =	vsub.f32 v35, v42;
	v52 =	vperm.xlane v48, v2;
	v53 =	vmul.f32 $1.562500000e-02, v50  }
0xc6: {  	v32 =	vadd.f32 v51, v49;
	v54 =	vmul.f32 v21, v21;
	v33 =	vmul.f32 v33, v31  }
0xc7: {  	v38 =	vmul.f32 v47, v8;
	[tilespmem:s28+$0x69D0] =	vst v24;
	v34 =	vadd.f32 v48, v52;
	v24 =	vadd.f32 $9.999999740e-06, v53  }
0xc8: {  	v56 =	vmul.f32 v23, v23;
	v55 =	vadd.f32 v32, v54;
	v58 =	vsub.f32 $1.500000000e+00, v33  }
0xc9: {  	s29 =	simm.s32 $0x140;
	v59 =	vperm.xlane v34, v3;
	v60 =	vshra.s32 v24, $0x1;
	v24 =	vmul.f32 $5.000000000e-01, v24  }
0xca: {  	v40 =	vld [tilespmem:s29+$0x1B0];
	v61 =	vadd.f32 v55, v56;
	v35 =	vsub.s32 $0x5F3759DF, v60;
	v31 =	vmul.f32 v58, v31  }
0xcb: {  	v37 =	vadd.f32 v37, v10;
	v44 =	vadd.f32 v57, v11;
	v39 =	vld [tilespmem:s29+$0x1A0];
	v42 =	vmul.f32 v35, v24  }
0xcc: {  	v32 =	vld [tilespmem:s29+$0x35C0];
	v36 =	vadd.f32 v34, v59;
	v62 =	vperm.xlane v61, v2;
	v63 =	vmul.f32 v31, v30  }
0xcd: {  	v33 =	vld [tilespmem:s29+$0x35A0];
	[tilespmem:s28+$0x69A0] =	vst v37;
	v37 =	vmul.f32 v35, v42;
	v29 =	vmul.f32 v31, v29;
	v42 =	vadd.f32 v38, v12  }
0xce: {  	s30 =	simm.s32 $0x600;
	v30 =	vld [tilespmem:s29+$0x1C0];
	v41 =	vperm.xlane v36, v4;
	v38 =	vadd.f32 v61, v62;
	[tilespmem:s28+$0x69B0] =	vst v44;
	v34 =	vmul.f32 v63, v9  }
.LBB2_3:
0xcf: {  	p0 =	sne.s32 s30, $0xC700;
	v43 =	vld [tilespmem:s29+$0x35B0];
	v37 =	vsub.f32 $1.500000000e+00, v37;
	v44 =	vmul.f32 v31, v15;
	v31 =	vmul.f32 v31, v14;
	[tilespmem:s28+$0x69C0] =	vst v42;
	v42 =	vmovc v18;
	s28 =	smov.u32 s23;
	s23 =	smov.u32 s24  }
0xd0: {  	v18 =	vmovc v22;
	s24 =	smov.u32 s25;
	s25 =	smov.u32 s26;
	s26 =	smov.u32 s29;
	v45 =	vld [tilespmem:s29+$0x1D0];
	v36 =	vadd.f32 v36, v41;
	v41 =	vperm.xlane v38, v3;
	v46 =	vadd.f32 v34, v13  }
0xd1: {  	v15 =	vmovc v16;
	v16 =	vmovc v20;
	v14 =	vmov v17;
	v22 =	vmul.f32 $8.000000000e+00, v39;
	v35 =	vmul.f32 v35, v37  }
0xd2: {  	v17 =	vmovc v21;
	v20 =	vmul.f32 $8.000000000e+00, v40;
	v37 =	vld [tilespmem:s26+$0x35D0];
	v39 =	vperm.xlane v36, v5;
	v38 =	vadd.f32 v38, v41;
	[tilespmem:s28+$0x69D0] =	vst v46  }
0xd3: {  	v34 =	vmovc v23;
	v21 =	vadd.f32 v33, v22;
	v22 =	vmul.f32 $8.000000000e+00, v30;
	v30 =	vmul.f32 v35, v24  }
0xd4: {  	v23 =	vadd.f32 v43, v20;
	v20 =	vadd.f32 v36, v39;
	v33 =	vperm.xlane v38, v4  }
0xd5: {  	v32 =	vadd.f32 v32, v22;
	v22 =	vmul.f32 $8.000000000e+00, v45;
	v30 =	vmul.f32 v30, v35  }
0xd6: {  	v36 =	vadd.f32 v23, v21;
	v39 =	vmul.f32 $1.562500000e-02, v20;
	v33 =	vadd.f32 v38, v33  }
0xd7: {  	v29 =	vmul.f32 v29, v6;
	v37 =	vadd.f32 v37, v22;
	v30 =	vsub.f32 $1.500000000e+00, v30  }
0xd8: {  	v36 =	vadd.f32 v32, v36;
	v22 =	vsub.f32 v25, v39;
	v38 =	vperm.xlane v33, v5;
	v25 =	vmovc v21  }
0xd9: {  	v40 =	vmul.f32 v44, v7;
	v20 =	vsub.f32 v26, v39;
	v26 =	vmovc v23;
	v30 =	vmul.f32 v30, v35  }
0xda: {  	v35 =	vadd.f32 v37, v36;
	v36 =	vmul.f32 v22, v22;
	v33 =	vadd.f32 v33, v38  }
0xdb: {  	v21 =	vsub.f32 v27, v39;
	v27 =	vmovc v32;
	v38 =	vmul.f32 v20, v20;
	v24 =	vmul.f32 v30, v24  }
0xdc: {  	v23 =	vsub.f32 v28, v39;
	v28 =	vmovc v37;
	v32 =	vperm.xlane v35, v2;
	v33 =	vmul.f32 $1.562500000e-02, v33  }
0xdd: {  	v37 =	vmul.f32 v21, v21;
	v36 =	vadd.f32 v38, v36;
	v24 =	vmul.f32 v24, v30  }
0xde: {  	v41 =	vmul.f32 v31, v8;
	v38 =	vadd.f32 v35, v32;
	v32 =	vadd.f32 $9.999999740e-06, v33  }
0xdf: {  	v31 =	vadd.f32 v36, v37;
	v33 =	vmul.f32 v23, v23;
	v36 =	vsub.f32 $1.500000000e+00, v24  }
0xe0: {  	s29 =	sshra.s32 s30, $0x2;
	v37 =	vperm.xlane v38, v3;
	v35 =	vshra.s32 v32, $0x1;
	v24 =	vmul.f32 $5.000000000e-01, v32  }
.Ltmp0:
0xe1: {  	v43 =	vadd.f32 v31, v33;
	v32 =	vld [tilespmem:s29+$0x35C0];
	v35 =	vsub.s32 $0x5F3759DF, v35;
	v31 =	vmul.f32 v36, v30;
	(pc) =	sbr.rel @p0 .LBB2_3-.Ltmp0, $4  }
0xe2: {  	v44 =	vadd.f32 v29, v10;
	v45 =	vadd.f32 v40, v11;
	v33 =	vld [tilespmem:s29+$0x35A0];
	v30 =	vmul.f32 v35, v24  }
0xe3: {  	v36 =	vadd.f32 v38, v37;
	v38 =	vperm.xlane v43, v2;
	v39 =	vld [tilespmem:s29+$0x1A0];
	v46 =	vmul.f32 v31, v19;
	v19 =	vmovc v34  }
0xe4: {  	v29 =	vmul.f32 v31, v42;
	v42 =	vadd.f32 v41, v12;
	v40 =	vld [tilespmem:s29+$0x1B0];
	v37 =	vmul.f32 v35, v30;
	[tilespmem:s28+$0x69A0] =	vst v44  }
0xe5: {  	s30 =	sadd.s32 $0x100, s30;
	v41 =	vperm.xlane v36, v4;
	v38 =	vadd.f32 v43, v38;
	v30 =	vld [tilespmem:s29+$0x1C0];
	v34 =	vmul.f32 v46, v9;
	[tilespmem:s28+$0x69B0] =	vst v45  }
0xe6: {  	v43 =	vld [tilespmem:s29+$0x35B0]  }
0xe7: {  	[tilespmem:s28+$0x69C0] =	vst v42  }
0xe8: {  	v42 =	vld [tilespmem:s29+$0x1D0]  }
0xe9: {  	v39 =	vmul.f32 $8.000000000e+00, v39;
	v40 =	vmul.f32 $8.000000000e+00, v40  }
0xea: {  	v44 =	vld [tilespmem:s29+$0x35D0]  }
0xeb: {  	v39 =	vadd.f32 v33, v39;
	v30 =	vmul.f32 $8.000000000e+00, v30;
	v40 =	vadd.f32 v43, v40;
	_ =	sdelay $0x1  }
0xec: {  	v63 =	vadd.f32 v32, v30;
	v42 =	vmul.f32 $8.000000000e+00, v42;
	v45 =	vadd.f32 v40, v39;
	_ =	sdelay $0x1  }
0xed: {  	v42 =	vadd.f32 v44, v42;
	v46 =	vadd.f32 v63, v45;
	_ =	sdelay $0x1  }
0xee: {  	v30 =	vadd.f32 v42, v46;
	_ =	sdelay $0x1  }
0xef: {  	v47 =	vperm.xlane v30, v2;
	_ =	sdelay $0x1  }
0xf0: {  	v30 =	vadd.f32 v30, v47;
	_ =	sdelay $0x1  }
0xf1: {  	v32 =	vperm.xlane v30, v3  }
0xf2: {  	v48 =	vadd.f32 v36, v41  }
0xf3: {  	v30 =	vadd.f32 v30, v32  }
0xf4: {  	v49 =	vperm.xlane v48, v5  }
0xf5: {  	v50 =	vperm.xlane v30, v4  }
0xf6: {  	v32 =	vadd.f32 v48, v49  }
0xf7: {  	v30 =	vadd.f32 v30, v50  }
0xf8: {  	v51 =	vmul.f32 $1.562500000e-02, v32  }
0xf9: {  	v52 =	vperm.xlane v30, v5  }
0xfa: {  	v33 =	vsub.f32 v25, v51;
	v32 =	vsub.f32 v26, v51  }
0xfb: {  	v53 =	vadd.f32 v30, v52  }
0xfc: {  	v54 =	vmul.f32 v33, v33;
	v55 =	vmul.f32 v32, v32;
	v30 =	vsub.f32 v27, v51  }
0xfd: {  	v41 =	vmul.f32 $1.562500000e-02, v53  }
0xfe: {  	v36 =	vsub.f32 v28, v51;
	v26 =	vadd.f32 v55, v54;
	v56 =	vmul.f32 v30, v30  }
0xff: {  	v27 =	vsub.f32 v39, v41;
	v25 =	vsub.f32 v40, v41  }
0x100: {  	v57 =	vmul.f32 v36, v36;
	v28 =	vadd.f32 v26, v56  }
0x101: {  	v26 =	vsub.f32 v63, v41;
	v58 =	vmul.f32 v27, v27;
	v59 =	vmul.f32 v25, v25  }
0x102: {  	v60 =	vperm.xlane v38, v3;
	v39 =	vadd.f32 v28, v57  }
0x103: {  	v28 =	vsub.f32 v42, v41;
	v61 =	vmul.f32 v26, v26;
	v40 =	vadd.f32 v59, v58  }
0x104: {  	v38 =	vadd.f32 v38, v60  }
0x105: {  	v62 =	vperm.xlane v39, v2;
	v63 =	vmul.f32 v28, v28;
	v40 =	vadd.f32 v40, v61  }
0x106: {  	v45 =	vperm.xlane v38, v4  }
0x107: {  	v39 =	vadd.f32 v39, v62;
	v40 =	vadd.f32 v40, v63  }
0x108: {  	v38 =	vadd.f32 v38, v45  }
0x109: {  	v46 =	vperm.xlane v39, v3;
	v47 =	vperm.xlane v40, v2  }
0x10a: {  	v43 =	vperm.xlane v38, v5  }
0x10b: {  	v39 =	vadd.f32 v39, v46;
	v40 =	vadd.f32 v40, v47  }
0x10c: {  	v38 =	vadd.f32 v38, v43  }
0x10d: {  	v41 =	vperm.xlane v39, v4;
	v42 =	vperm.xlane v40, v3  }
0x10e: {  	v38 =	vmul.f32 $1.562500000e-02, v38  }
0x10f: {  	v39 =	vadd.f32 v39, v41;
	v40 =	vadd.f32 v40, v42  }
0x110: {  	v38 =	vadd.f32 $9.999999740e-06, v38  }
0x111: {  	v41 =	vperm.xlane v39, v5;
	v42 =	vperm.xlane v40, v4  }
0x112: {  	v37 =	vsub.f32 $1.500000000e+00, v37;
	v48 =	vshra.s32 v38, $0x1;
	v38 =	vmul.f32 $5.000000000e-01, v38  }
0x113: {  	v49 =	vsub.s32 $0x5F3759DF, v48;
	v39 =	vadd.f32 v39, v41;
	v40 =	vadd.f32 v40, v42  }
0x114: {  	v35 =	vmul.f32 v35, v37;
	v50 =	vmul.f32 v49, v38  }
0x115: {  	v39 =	vmul.f32 $1.562500000e-02, v39;
	v52 =	vperm.xlane v40, v5  }
0x116: {  	v51 =	vmul.f32 v35, v24;
	v41 =	vmul.f32 v49, v50  }
0x117: {  	v39 =	vadd.f32 $9.999999740e-06, v39;
	v40 =	vadd.f32 v40, v52  }
0x118: {  	v42 =	vmul.f32 v51, v35;
	v41 =	vsub.f32 $1.500000000e+00, v41  }
0x119: {  	v53 =	vshra.s32 v39, $0x1;
	v39 =	vmul.f32 $5.000000000e-01, v39;
	v40 =	vmul.f32 $1.562500000e-02, v40  }
0x11a: {  	v42 =	vsub.f32 $1.500000000e+00, v42;
	v37 =	vmul.f32 v49, v41;
	v43 =	vsub.s32 $0x5F3759DF, v53  }
0x11b: {  	v15 =	vmul.f32 v31, v15;
	v54 =	vmul.f32 v43, v39;
	v40 =	vadd.f32 $9.999999740e-06, v40  }
0x11c: {  	v35 =	vmul.f32 v42, v35;
	v55 =	vmul.f32 v37, v38  }
0x11d: {  	v41 =	vmul.f32 v43, v54;
	v57 =	vshra.s32 v40, $0x1;
	v40 =	vmul.f32 $5.000000000e-01, v40  }
0x11e: {  	v56 =	vmul.f32 v35, v24;
	v42 =	vmul.f32 v55, v37;
	v44 =	vsub.s32 $0x5F3759DF, v57  }
0x11f: {  	v14 =	vmul.f32 v31, v14;
	v41 =	vsub.f32 $1.500000000e+00, v41;
	v58 =	vmul.f32 v44, v40  }
0x120: {  	v29 =	vmul.f32 v29, v6;
	v24 =	vmul.f32 v56, v35;
	v42 =	vsub.f32 $1.500000000e+00, v42  }
0x121: {  	v41 =	vmul.f32 v43, v41;
	v31 =	vmul.f32 v44, v58  }
0x122: {  	v15 =	vmul.f32 v15, v7;
	v24 =	vsub.f32 $1.500000000e+00, v24;
	v37 =	vmul.f32 v42, v37  }
0x123: {  	v14 =	vmul.f32 v14, v8;
	v59 =	vmul.f32 v41, v39;
	v31 =	vsub.f32 $1.500000000e+00, v31  }
0x124: {  	v24 =	vmul.f32 v24, v35;
	v38 =	vmul.f32 v37, v38  }
0x125: {  	v60 =	vmul.f32 v59, v41;
	v31 =	vmul.f32 v44, v31  }
0x126: {  	v34 =	vadd.f32 v34, v13;
	v19 =	vmul.f32 v24, v19;
	v18 =	vmul.f32 v24, v18  }
0x127: {  	v38 =	vmul.f32 v38, v37;
	v35 =	vsub.f32 $1.500000000e+00, v60;
	v61 =	vmul.f32 v31, v40  }
0x128: {  	v29 =	vadd.f32 v29, v10;
	v16 =	vmul.f32 v24, v16;
	v17 =	vmul.f32 v24, v17  }
0x129: {  	v15 =	vadd.f32 v15, v11;
	v35 =	vmul.f32 v35, v41;
	v62 =	vmul.f32 v61, v31  }
0x12a: {  	v19 =	vmul.f32 v19, v9;
	v38 =	vsub.f32 $1.500000000e+00, v38;
	v18 =	vmul.f32 v18, v6  }
0x12b: {  	v16 =	vmul.f32 v16, v7;
	v63 =	vmul.f32 v35, v39;
	v41 =	vsub.f32 $1.500000000e+00, v62  }
0x12c: {  	[tilespmem:s23+$0x69D0] =	vst v34;
	v14 =	vadd.f32 v14, v12;
	v17 =	vmul.f32 v17, v8;
	v37 =	vmul.f32 v38, v37  }
0x12d: {  	[tilespmem:s23+$0x69A0] =	vst v29;
	v19 =	vadd.f32 v19, v13;
	v24 =	vmul.f32 v63, v35;
	v31 =	vmul.f32 v41, v31  }
0x12e: {  	[tilespmem:s23+$0x69B0] =	vst v15;
	v15 =	vadd.f32 v18, v10;
	v23 =	vmul.f32 v37, v23;
	v22 =	vmul.f32 v37, v22  }
0x12f: {  	[tilespmem:s23+$0x69C0] =	vst v14;
	v44 =	vmul.f32 v37, v20;
	v24 =	vsub.f32 $1.500000000e+00, v24;
	v43 =	vmul.f32 v31, v40  }
0x130: {  	v14 =	vadd.f32 v16, v11;
	[tilespmem:s24+$0x69D0] =	vst v19;
	v46 =	vmul.f32 v37, v21;
	v42 =	vmul.f32 v23, v9  }
0x131: {  	v17 =	vadd.f32 v17, v12;
	[tilespmem:s24+$0x69A0] =	vst v15;
	v45 =	vmul.f32 v24, v35;
	v47 =	vmul.f32 v43, v31  }
0x132: {  	[tilespmem:s24+$0x69B0] =	vst v14;
	v48 =	vmul.f32 v22, v6;
	v14 =	vmul.f32 v44, v7;
	v15 =	vadd.f32 v42, v13  }
0x133: {  	[tilespmem:s24+$0x69C0] =	vst v17;
	v50 =	vmul.f32 v46, v8;
	v49 =	vmul.f32 v45, v36;
	v51 =	vsub.f32 $1.500000000e+00, v47  }
0x134: {  	v52 =	vadd.f32 v48, v10;
	[tilespmem:s25+$0x69D0] =	vst v15;
	v53 =	vmul.f32 v45, v33;
	v15 =	vmul.f32 v45, v32  }
0x135: {  	v14 =	vadd.f32 v14, v11;
	v54 =	vmul.f32 v49, v9;
	v19 =	vmul.f32 v51, v31  }
0x136: {  	v16 =	vadd.f32 v50, v12;
	[tilespmem:s25+$0x69A0] =	vst v52;
	v55 =	vmul.f32 v45, v30;
	v18 =	vmul.f32 v53, v6  }
0x137: {  	[tilespmem:s25+$0x69B0] =	vst v14;
	v15 =	vmul.f32 v15, v7;
	v14 =	vadd.f32 v54, v13;
	v56 =	vmul.f32 v19, v28  }
0x138: {  	[tilespmem:s25+$0x69C0] =	vst v16;
	v57 =	vmul.f32 v55, v8;
	v58 =	vadd.f32 v18, v10;
	v59 =	vmul.f32 v19, v27  }
0x139: {  	[tilespmem:s26+$0x69D0] =	vst v14;
	v14 =	vadd.f32 v15, v11;
	v60 =	vmul.f32 v19, v25;
	v15 =	vmul.f32 v56, v9  }
0x13a: {  	v16 =	vadd.f32 v57, v12;
	[tilespmem:s26+$0x69A0] =	vst v58;
	v61 =	vmul.f32 v19, v26;
	v18 =	vmul.f32 v59, v6  }
0x13b: {  	[tilespmem:s26+$0x69B0] =	vst v14;
	v14 =	vadd.f32 v15, v13;
	v15 =	vmul.f32 v60, v7  }
0x13c: {  	[tilespmem:s26+$0x69C0] =	vst v16;
	v62 =	vmul.f32 v61, v8;
	v63 =	vadd.f32 v18, v10  }
0x13d: {  	[tilespmem:s29+$0x69D0] =	vst v14;
	v14 =	vadd.f32 v15, v11  }
0x13e: {  	s22 =	smul.u32 $0x640, s22;
	s21 =	sadd.s32 $0x1, s21;
	[tilespmem:s29+$0x69A0] =	vst v63;
	v15 =	vadd.f32 v62, v12  }
0x13f: {  	p0 =	sne.s32 s21, $0x80;
	[tilespmem:s29+$0x69B0] =	vst v14  }
.Ltmp1:
0x140: {  	s22 =	sadd.s32 s3, s22;
	[tilespmem:s29+$0x69C0] =	vst v15;
	(pc) =	sbr.rel @p0 .LBB2_2-.Ltmp1, $4  }
0x141: {  	[hbm4b:s22+s4] =	stream.linear.scatter [tilespmem:s19], [sflag:$0x3], $0x3200, $0x38;
	[tilespmem:$0x9E20] =	vst v63  }
0x142: {  	_ =	swait.ge [sflag:s12], $0x3200  }
0x143: {  	[sflag:s12] =	ssyncset.done $0x0  }
0x144: {  	[sflag:s12] =	ssyncadd.s32 $0xFFFFCE00  }
0x145: {  	s20 =	sadd.s32 $0x1, s20  }
0x146: {  	p0 =	sne.s32 s20, s10  }
.Ltmp2:
0x147: {  	_ = 	snop;
	(pc) =	sbr.rel @p0 .LBB2_1-.Ltmp2, $1  }
0x148: {  	_ =	sdelay $0x3  }
0x149: {  	_ =	sfence.sel $0x180000  }
0x14a: {  	[bflag:$0x0] =	sbarrier.arrive $0xFFFF  }
0x14b: {  	p0 =	sne.s32 s7, $0x0;
	_ =	strace $0x90000047  }
0x14c: {  	s0 =	sadd.s32 @!p0 $0x100000, s2;
	[bflag:$0x2] =	sbarrier.arrive $0xFFFF  }
0x14d: {  	[sflag:s0] =	ssyncadd.tile.s32 @!p0 $0x1;
	_ =	shalt  }
.Lfunc_end2:
_tile_overlayer_lowered:
.L_overlay_start_2:
0x14e: {  	(tag) =	ssettag $0x2  }
0x14f: {  	s0 =	rddreg [dreg:$0x0];
	s2 =	stileid.u32  }
0x150: {  	s1 =	rddreg [dreg:$0x1];
	p0 =	sne.s32 s2, $0x0  }
0x151: {  	s3 =	rddreg [dreg:$0x2];
	[bflag:$0x3] =	sbarrier.arrive $0xFFFF;
	s2 =	simm.s32 @!p0 $0x1C03  }
0x152: {  	[timem:s3], [sflag:s2] =	dma.local @!p0 [hbm:s0], s1  }
0x153: {  	s0 =	simm.s32 @!p0 $0x3  }
0x154: {  	_ =	swait.ge @!p0 [sflag:s0], s1  }
0x155: {  	s1 =	ssub.s32 @!p0 $0x0, s1;
	[sflag:s0] =	ssyncset.done @!p0 $0x0  }
0x156: {  	[sflag:s0] =	ssyncadd.s32 @!p0 s1  }
0x157: {  	[bflag:$0x3] =	sbarrier.arrive $0xFFFF  }
0x158: {  	_ =	shalt  }

// kernel: sparse-core-data-format-call.cloned.1.call-start
scs
called_computation_lowered:
.L_overlay_start_0:
0x0: {  	s2 =	sld [smem:$0x3FD9]  }
0x1: {  	s3 =	sld [smem:$0x3FFE];
	_ =	sdelay $0x1  }
0x2: {  	s1 =	srdreg.scid  }
0x3: {  	s0 =	sand.u32 $0x1, s1  }
0x4: {  	s18 =	sshll.u32 s0, $0xA;
	s2 =	sadd.s32 s3, s2  }
0x5: {  	s2 =	sadd.s32 s2, s18  }
0x6: {  	[smem:$0x3FC3] =	sst s2  }
0x7: {  	_ = 	snop  }
0x8: {  	s2 =	sld [smem:$0x3FD0];
	(tm) =	ssettm $0x1  }
0x9: {  	s19 =	sld [smem:$0x3FFB];
	_ =	sdelay $0x3  }
0xa: {  	_ =	strace s19  }
0xb: {  	s3 =	sld [smem:$0x3FFC];
	_ =	sdelay $0x3  }
0xc: {  	_ =	strace s3  }
0xd: {  	s3 =	sld [smem:$0x3FFD];
	_ =	sdelay $0x3  }
0xe: {  	_ =	strace s3  }
0xf: {  	_ =	strace $0x8FFFFFFF  }
0x10: {  	s20 =	sld [smem:$0x3FDB];
	_ =	sdelay $0x1  }
0x11: {  	s4 =	simm.s32 $_scs_section_size  }
0x12: {  	s5 =	simm.s32 $_size__tile_overlayer_lowered;
	s6 =	simm.s32 $_tile_overlayer_lowered  }
0x13: {  	s23 =	simm.s32 $0x1BFF;
	s22 =	sshll.u32 s6, $0x1;
	s3 =	sadd.s32 s4, s20  }
0x14: {  	s7 =	simm.s32 $0x0;
	s21 =	sshll.u32 s5, $0x1;
	s5 =	sadd.s32 s22, s3  }
0x15: {  	[timem:s7], [sflag:s23] =	dma.local [hbm:s5], s21  }
0x16: {  	_ =	swait.ge [sflag:s23], s21  }
0x17: {  	s4 =	ssub.s32 $0x0, s21;
	[sflag:s23] =	ssyncset.done $0x0  }
0x18: {  	[sflag:s23] =	ssyncadd.s32 s4;
	_ =	sdelay $0x1  }
0x19: {  	s24 =	simm.s32 $0x1B8B  }
0x1a: {  	_ =	swait.ge [sflag:s24], $0x1  }
0x1b: {  	[sflag:s24] =	ssyncset.done $0x0  }
0x1c: {  	s26 =	simm.s32 $0x1B8E;
	s25 =	sld [smem:$0x3FFE];
	[sflag:s24] =	ssyncadd.s32 $0xFFFFFFFF  }
0x1d: {  	s27 =	simm.s32 $execute0_lowered;
	[smem:$0x3FD2] =	sst s26  }
0x1e: {  	s5 =	sshll.u32 s27, $0x1;
	_ =	strace $0x80000049;
	[dreg:$0x1] =	wrdreg $0xFFFFFFFF  }
0x1f: {  	s28 =	simm.s32 $_size_execute0_lowered;
	s3 =	sadd.s32 s3, s5;
	[dreg:$0x0] =	wrdreg $0x0  }
0x20: {  	s5 =	sshll.u32 s28, $0x1;
	[dreg:$0x2] =	wrdreg s3  }
0x21: {  	[dreg:$0x3] =	wrdreg s5  }
0x22: {  	[dreg:$0x4] =	wrdreg $0xC0  }
0x23: {  	_ =	task [dreg:s7], $0x5FFFF  }
0x24: {  	[dreg:$0x1] =	wrdreg $0xFFFFFFFF  }
0x25: {  	[dreg:$0x0] =	wrdreg $0x60  }
0x26: {  	[dreg:$0x2] =	wrdreg s25  }
0x27: {  	[dreg:$0x3] =	wrdreg s2  }
0x28: {  	[dreg:$0x4] =	wrdreg $0x9  }
0x29: {  	_ =	task.clear_ibuf [dreg:s7], $0x5FFFF;
	_ =	strace $0x90000049  }
0x2a: {  	s29 =	simm.s32 $0x9;
	_ =	strace $0x8000004B  }
0x2b: {  	_ =	swait.ge [sflag:s29], $0x1  }
0x2c: {  	[sflag:s29] =	ssyncadd.s32 $0xFFFFFFFF  }
0x2d: {  	_ =	strace $0x9000004B  }
0x2e: {  	_ =	sfence  }
0x2f: {  	s30 =	sld [smem:$0x0];
	_ =	sdelay $0x2  }
0x30: {  	s31 =	sshll.u32 s1, $0xD;
	s1 =	sshrl.u32 s1, $0x2  }
0x31: {  	s3 =	sand.u32 $0x4000, s31;
	s1 =	sadd.s32 s1, s30  }
0x32: {  	s0 =	sor.u32 s3, s0;
	s1 =	sshll.u32 s1, $0x11  }
0x33: {  	s0 =	sor.u32 s1, s0  }
0x34: {  	s0 =	sadd.s32 $0x8F2B, s0  }
0x35: {  	[sflag:s0] =	ssyncadd.remote.s32 $0x1  }
0x36: {  	_ =	sfence.sel $0xFFFF  }
0x37: {  	[dreg:$0x0] =	wrdreg $0xFFFFFFFF;
	(pc) =	sbr.abs _section_cstart, $3  }
0x38: {  	[dreg:$0x1] =	wrdreg $0xFFFFFFFF  }
0x39: {  	_ =	task.clear_ibuf [dreg:s7], $0x2FFFF;
	_ =	strace $0x9FFFFFFF  }
0x3a: {  	(tm) =	ssettm $0x7FFFFFFF  }
0x3b: {  	_ =	shalt  }
tec
execute0_lowered:
.L_overlay_start_1:
0x0: {  	(tag) =	ssettag $0x1  }
0x1: {  	s0 =	srdreg.scid  }
0x2: {  	s1 =	sshll.u32 s0, $0x4  }
0x3: {  	s0 =	stileid.u32;
	s1 =	sand.u32 $0x10, s1  }
0x4: {  	s1 =	sor.u32 s0, s1  }
0x5: {  	s6 =	rddreg [dreg:$0x0];
	s4 =	simm.s32 $0x1;
	s2 =	sshll.u32 s1, $0x7  }
0x6: {  	s7 =	simm.s32 $0x2;
	s12 =	simm.s32 $0x0;
	s1 =	ssub.s32 $0x1000, s2  }
0x7: {  	s8 =	simm.s32 $0x8000;
	s13 =	simm.s32 $0x0;
	s3 =	sand.u32 $0xF80, s1  }
0x8: {  	s9 =	simm.s32 $0x0;
	s5 =	sshrl.u32 s1, $0xC;
	p0 =	sne.s32 s3, $0x0  }
.Ltmp0:
0x9: {  	s1 =	rddreg [dreg:$0x2];
	s4 =	simm.s32 @!p0 $0x0;
	(pc) =	sbr.rel .LBB1_1-.Ltmp0, $4  }
0xa: {  	s11 =	simm.s32 $0x0;
	s3 =	rddreg [dreg:$0x1];
	s5 =	sadd.s32 s4, s5  }
0xb: {  	_ =	strace $0x8000004A;
	s4 =	simm.s32 $0x1;
	s5 =	smul.u32 $0xC8, s5  }
0xc: {  	s6 =	sadd.s32 $0x800, s6;
	s10 =	smov.u32 s2;
	[sflag:s4] =	ssyncpa.u1 $0x0  }
0xd: {  	p0 =	por $0x0, $0x0;
	[sflag:s7] =	ssyncpa.u1 $0x0;
	s7 =	sor.u32 $0x1, s5  }
.LBB1_4:
0xe: {  	s16 =	sshll.u32 s13, $0x3;
	s17 =	sand.u32 $0x78, s13  }
0xf: {  	s30 =	sand.u32 $0x7E00, s13;
	s12 =	sshll.u32 s12, $0xF;
	s16 =	sand.u32 $0xC00, s16  }
0x10: {  	[tilespmem:s15+$0x810 ss:$0x81] =	vst.msk $0xffff, v2;
	s31 =	sand.u32 $0x7, s13;
	s16 =	sor.u32 s17, s16;
	s17 =	sadd.s32 s3, s30  }
0x11: {  	[tilespmem:s15+$0x1020 ss:$0x81] =	vst.msk $0xffff, v0;
	s13 =	sshll.u32 s31, $0x12;
	s12 =	sadd.s32 s12, s17;
	s16 =	sshrl.u32 s16, $0x3  }
0x12: {  	[tilespmem:s15+$0x0 ss:$0x81] =	vst.msk $0xffff, v1;
	s13 =	sor.u32 $0x400, s13;
	s12 =	sadd.s32 s16, s12  }
0x13: {  	[hbm4b:s12+s13] =	stream.strided.scatter [tilespmem:s14], [sflag:$0x2], $0x2000, s8, s13, $0x20;
	[tilespmem:$0x8080] =	vst v63  }
.LBB1_5:
0x14: {  	s14 =	sadd.s32 $0x1, s9  }
0x15: {  	s12 =	sadd.s32 $0x1000, s10;
	s16 =	smov.u32 s10;
	p2 =	sgt.s32 s14, $0xC7  }
0x16: {  	s16 =	smov.u32 @p2 s12  }
0x17: {  	s14 =	simm.s32 @p2 $0x0;
	p2 =	sgt.s32 s16, $0xFFF  }
0x18: {  	s16 =	smov.u32 @p2 s2;
	p2 =	sne.s32 s11, s7  }
.Ltmp1:
0x19: {  	p1 =	slt.u32 s11, $0x2;
	(pc) =	sbr.rel @!p2 .LBB1_6-.Ltmp1, $4  }
0x1a: {  	s15 =	simm.s32 @!p1 $0x2  }
0x1b: {  	s13 =	smov.u32 s10;
	p0 =	por !p0, !p0;
	_ =	swait.ge @!p1 [sflag:s15], $0x2000  }
0x1c: {  	s12 =	smov.u32 s9;
	[sflag:s15] =	ssyncset.done @!p1 $0x0;
	s9 =	smov.u32 s14  }
0x1d: {  	s11 =	sadd.s32 $0x1, s11;
	[sflag:s15] =	ssyncadd.s32 @!p1 $0xFFFFE000;
	s10 =	smov.u32 s16  }
.LBB1_1:
0x1e: {  	p1 =	sge.u32 s11, s5  }
0x1f: {  	s14 =	sand.u32 @!p1 $0x1FFFFFF, s9  }
0x20: {  	s15 =	smulhi.u32 @!p1 $0x147AE15, s14;
	_ =	sdelay $0x1  }
0x21: {  	s15 =	smul.u32 @!p1 $0xC8, s15  }
0x22: {  	s16 =	sxor.u32 @!p1 $0xFFFFFFFF, s11;
	s17 =	smul.u32 @!p1 $0xC80, s10  }
0x23: {  	s31 =	sadd.s32 $0xFFFFFFFF, s11;
	s16 =	sshll.u32 @!p1 s16, $0xD;
	s14 =	ssub.s32 @!p1 s14, s15  }
0x24: {  	s15 =	sand.u32 @!p1 $0x2000, s16;
	s16 =	sadd.s32 @!p1 s6, s17;
	s14 =	sshll.u32 @!p1 s14, $0x4  }
0x25: {  	s17 =	simm.s32 @!p1 $0x6400;
	s14 =	sadd.s32 @!p1 s14, s16;
	s16 =	simm.s32 @!p1 $0x40  }
0x26: {  	[tilespmem:s15], [sflag:$0x1] =	stream.strided.gather @!p1 [hbm4b:s14+s16], $0x2000, s17, s16, $0x38;
	[tilespmem:$0x8080] =	vst v63  }
0x27: {  	p1 =	sge.u32 s31, s5  }
.Ltmp2:
0x28: {  	_ = 	snop;
	(pc) =	sbr.rel @p1 .LBB1_5-.Ltmp2, $1  }
0x29: {  	_ =	sdelay $0x3  }
0x2a: {  	s14 =	simm.s32 $0x1  }
0x2b: {  	_ =	swait.ge [sflag:s4], $0x2000;
	s14 =	simm.s32 @!p0 $0x0  }
0x2c: {  	[sflag:s4] =	ssyncset.done $0x0;
	s15 =	sshll.u32 s14, $0xD  }
0x2d: {  	[sflag:s4] =	ssyncadd.s32 $0xFFFFE000;
	s18 =	sor.u32 $0x20, s15  }
0x2e: {  	s14 =	smul.u32 $0x8100, s14;
	v3 =	vld [tilespmem:s18+$0x10]  }
0x2f: {  	s30 =	sand.u32 $0x1, s11;
	v2 =	vld [tilespmem:s18+$0xFFFFFFF0]  }
0x30: {  	s15 =	smul.u32 $0x8100, s30;
	s14 =	sshrl.u32 s14, $0x2;
	v0 =	vld [tilespmem:s18+$0x0]  }
0x31: {  	v1 =	vld [tilespmem:s18+$0xFFFFFFE0];
	s16 =	sor.u32 $0x4000, s14  }
0x32: {  	s31 =	sshrl.u32 s15, $0x2;
	s15 =	sadd.s32 $0x0, s16  }
0x33: {  	s17 =	simm.s32 $0x4;
	s18 =	sadd.s32 $0x40, s18;
	s14 =	sor.u32 $0x4000, s31;
	[tilespmem:s15+$0x1830 ss:$0x81] =	vst.msk $0xffff, v3  }
.LBB1_3:
0x34: {  	v3 =	vld [tilespmem:s18+$0x10];
	p1 =	sne.s32 s17, $0x1FC;
	[tilespmem:s15+$0x810 ss:$0x81] =	vst.msk $0xffff, v2;
	s19 =	smov.u32 s17;
	s17 =	sadd.s32 $0x4, s17  }
.Ltmp3:
0x35: {  	v2 =	vld [tilespmem:s18+$0xFFFFFFF0];
	[tilespmem:s15+$0x1020 ss:$0x81] =	vst.msk $0xffff, v0;
	(pc) =	sbr.rel @p1 .LBB1_3-.Ltmp3, $4  }
0x36: {  	v0 =	vld [tilespmem:s18+$0x0];
	[tilespmem:s15+$0x0 ss:$0x81] =	vst.msk $0xffff, v1  }
0x37: {  	s15 =	sshra.s32 s19, $0x2;
	v1 =	vld [tilespmem:s18+$0xFFFFFFE0]  }
0x38: {  	s15 =	sadd.s32 s15, s16  }
0x39: {  	s18 =	sadd.s32 $0x40, s18;
	[tilespmem:s15+$0x1830 ss:$0x81] =	vst.msk $0xffff, v3  }
.Ltmp4:
0x3a: {  	_ = 	snop;
	(pc) =	sbr.rel .LBB1_4-.Ltmp4, $1  }
0x3b: {  	_ =	sdelay $0x3  }
.LBB1_6:
0x3c: {  	_ =	sfence.sel $0x180000  }
0x3d: {  	s2 =	simm.s32 $0x1;
	[bflag:$0x0] =	sbarrier.arrive $0xFFFF  }
0x3e: {  	s31 =	simm.s32 $0x2;
	[sflag:s2] =	ssyncpa.u1 $0x1  }
0x3f: {  	[sflag:s31] =	ssyncpa.u1 $0x1  }
0x40: {  	p0 =	sne.s32 s0, $0x0;
	_ =	strace $0x9000004A  }
0x41: {  	s0 =	sadd.s32 @!p0 $0x100000, s1;
	[bflag:$0x2] =	sbarrier.arrive $0xFFFF  }
0x42: {  	[sflag:s0] =	ssyncadd.tile.s32 @!p0 $0x1;
	_ =	shalt  }
.Lfunc_end1:
_tile_overlayer_lowered:
.L_overlay_start_2:
0x43: {  	(tag) =	ssettag $0x2  }
0x44: {  	s0 =	rddreg [dreg:$0x0];
	s2 =	stileid.u32  }
0x45: {  	s1 =	rddreg [dreg:$0x1];
	p0 =	sne.s32 s2, $0x0  }
0x46: {  	s3 =	rddreg [dreg:$0x2];
	[bflag:$0x3] =	sbarrier.arrive $0xFFFF;
	s2 =	simm.s32 @!p0 $0x1C01  }
0x47: {  	[timem:s3], [sflag:s2] =	dma.local @!p0 [hbm:s0], s1  }
0x48: {  	s0 =	simm.s32 @!p0 $0x1  }
0x49: {  	_ =	swait.ge @!p0 [sflag:s0], s1  }
0x4a: {  	s1 =	ssub.s32 @!p0 $0x0, s1;
	[sflag:s0] =	ssyncset.done @!p0 $0x0  }
0x4b: {  	[sflag:s0] =	ssyncadd.s32 @!p0 s1  }
0x4c: {  	[bflag:$0x3] =	sbarrier.arrive $0xFFFF  }
0x4d: {  	_ =	shalt  }

</sc_bundles>
